<compile_context>
chip_gen: v7x
topology: tpu7x:2x2x1
jax: 0.10.2.dev20260603
libtpu: 0.0.44.dev20260713+nightly
codegen_flags: <defaults>
</compile_context>

<pallas_src>
import functools

import jax
import jax.numpy as jnp
from jax import lax
from jax.experimental import pallas as pl
from jax.experimental.pallas import tpu as pltpu
from jax.experimental.pallas import tpu_sc as plsc

NC = 2
NS = 16
L = 16
NW = NC * NS
D = 768
DJ = D // L
TB = 8
NBUF = 3


@functools.partial(jax.jit, static_argnums=(0, 1))
def _emb_call(N, T, tok_i, typ_i, pos_i, db,
              tok_tab, typ_tab, pos_tab, w, b):
    per_w = N // NW
    chunks = per_w // T
    mesh = plsc.VectorSubcoreMesh(core_axis_name="c", subcore_axis_name="s",
                                  num_cores=NC, num_subcores=NS)

    row_bufs = [pltpu.VMEM((T, D), jnp.float32) for _ in range(3 * NBUF)]
    db_bufs = [pltpu.VMEM((T, L), jnp.float32) for _ in range(NBUF)]
    sems = [pltpu.SemaphoreType.DMA for _ in range(2 * NBUF)]

    @functools.partial(
        pl.kernel,
        out_type=jax.ShapeDtypeStruct((N, D), jnp.float32),
        mesh=mesh,
        scratch_types=[
            pltpu.VMEM((per_w,), jnp.int32),
            pltpu.VMEM((per_w,), jnp.int32),
            pltpu.VMEM((per_w,), jnp.int32),
            pltpu.VMEM((D,), jnp.float32),
            pltpu.VMEM((D,), jnp.float32),
        ] + row_bufs + db_bufs + sems,
    )
    def k(tok_hbm, typ_hbm, posi_hbm, db_hbm,
          tokt_hbm, typt_hbm, post_hbm, w_hbm, b_hbm, out_hbm,
          tok_v, typ_v, pos_v, w_v, b_v, *bufs_and_sems):
        A = bufs_and_sems[0:NBUF]
        B = bufs_and_sems[NBUF:2 * NBUF]
        C = bufs_and_sems[2 * NBUF:3 * NBUF]
        DBB = bufs_and_sems[3 * NBUF:4 * NBUF]
        GS = bufs_and_sems[4 * NBUF:5 * NBUF]
        OS = bufs_and_sems[5 * NBUF:6 * NBUF]
        wid = lax.axis_index("s") * NC + lax.axis_index("c")
        base = wid * per_w
        pltpu.sync_copy(w_hbm, w_v)
        pltpu.sync_copy(b_hbm, b_v)
        pltpu.sync_copy(tok_hbm.at[pl.ds(base, per_w)], tok_v)
        pltpu.sync_copy(typ_hbm.at[pl.ds(base, per_w)], typ_v)
        pltpu.sync_copy(posi_hbm.at[pl.ds(base, per_w)], pos_v)

        def issue_gathers(g, p):
            o = pl.multiple_of(g * T, T)
            gb = base + g * T
            pltpu.async_copy(tokt_hbm.at[tok_v.at[pl.ds(o, T)]], A[p], GS[p])
            pltpu.async_copy(typt_hbm.at[typ_v.at[pl.ds(o, T)]], B[p], GS[p])
            pltpu.async_copy(post_hbm.at[pos_v.at[pl.ds(o, T)]], C[p], GS[p])
            pltpu.async_copy(db_hbm.at[pl.ds(gb, T), :], DBB[p], GS[p])

        def drain_gathers(p):
            pltpu.make_async_copy(tokt_hbm.at[pl.ds(0, T)], A[p], GS[p]).wait()
            pltpu.make_async_copy(typt_hbm.at[pl.ds(0, T)], B[p], GS[p]).wait()
            pltpu.make_async_copy(post_hbm.at[pl.ds(0, T)], C[p], GS[p]).wait()
            pltpu.make_async_copy(db_hbm.at[pl.ds(0, T), :], DBB[p],
                                  GS[p]).wait()

        def drain_out(p):
            pltpu.make_async_copy(tokt_hbm.at[pl.ds(0, T)], A[p], OS[p]).wait()

        def combine(p):
            ap = A[p]
            bp = B[p]
            cp = C[p]
            dbp = DBB[p]

            def tb_body(tb, _):
                t0 = tb * TB
                d16 = [dbp[t0 + u] for u in range(TB)]

                def j_body(j, _):
                    jo = pl.multiple_of(j * L, L)
                    sl = pl.ds(jo, L)
                    wv = w_v[sl]
                    bv = b_v[sl]
                    for u in range(TB):
                        t = t0 + u
                        plsc.addupdate(ap.at[t, sl],
                                       bp[t, sl] + cp[t, sl]
                                       + d16[u] * wv + bv)
                    return 0

                lax.fori_loop(0, DJ, j_body, 0)
                return 0

            lax.fori_loop(0, T // TB, tb_body, 0)

        def process(g, p):
            drain_gathers(p)
            q = (p + 2) % NBUF

            @pl.when(g + 2 < chunks)
            def _():
                @pl.when(g >= 1)
                def _():
                    drain_out(q)

                issue_gathers(g + 2, q)

            combine(p)
            pltpu.async_copy(A[p], out_hbm.at[pl.ds(base + g * T, T)], OS[p])

        issue_gathers(0, 0)
        issue_gathers(1, 1)
        main = (chunks // NBUF) * NBUF

        def tri_body(g3, carry):
            for p in range(NBUF):
                process(g3 * NBUF + p, p)
            return carry

        lax.fori_loop(0, chunks // NBUF, tri_body, 0)
        for g in range(main, chunks):
            process(g, g % NBUF)
        for p in range(NBUF):
            drain_out(p)

    return k(tok_i, typ_i, pos_i, db, tok_tab, typ_tab, pos_tab, w, b)


def kernel(tokens, token_types, scope_depth, token_table, type_table,
           pos_table, scope_w, scope_b):
    B, S = tokens.shape
    N = B * S
    tok_i = tokens.reshape(N).astype(jnp.int32)
    KREP = 128
    typ_i = ((jnp.arange(N, dtype=jnp.int32) % KREP) * 16
             + token_types.reshape(N).astype(jnp.int32))
    pos_i = jnp.tile(jnp.arange(S, dtype=jnp.int32), B)
    db = jnp.broadcast_to(scope_depth.reshape(N)[:, None].astype(jnp.float32),
                          (N, L))
    typ_rep = jnp.tile(type_table, (128, 1))
    out = _emb_call(N, 16, tok_i, typ_i, pos_i, db,
                    token_table, typ_rep, pos_table, scope_w, scope_b)
    return out.reshape(B, S, D)

# --- scband reference (transcript-rebuilt; emitter-appended) ---
"""Pipeline reference for scband-embedding-layer-84250078478994 (READ-ONLY COPY).

The authoritative reference and input builder live on the scoring server;
editing this copy changes nothing except your own understanding.
"""

import jax, jax.numpy as jnp
import numpy as np

VOCAB = 100000
TYPE_VOCAB = 16
D_MODEL = 768
MAX_SEQ = 8192
B, S = 4, 8192


def setup_inputs(seed: int = 0) -> dict:
    key = jax.random.key(seed)
    k1, k2, k3, k4, k5, k6, k7, k8 = jax.random.split(key, 8)
    tokens = jax.random.randint(k1, (B, S), 0, VOCAB, dtype=jnp.int64 if jax.config.jax_enable_x64 else jnp.int32)
    token_types = jax.random.randint(k2, (B, S), 0, TYPE_VOCAB, dtype=jnp.int64 if jax.config.jax_enable_x64 else jnp.int32)
    scope_depth = jax.random.uniform(k3, (B, S), dtype=jnp.float32)
    token_table = (jax.random.normal(k4, (VOCAB, D_MODEL), dtype=jnp.float32) * 0.02).at[0].set(0.0)  # padding_idx=0
    type_table = (jax.random.normal(k5, (TYPE_VOCAB, D_MODEL), dtype=jnp.float32) * 0.02).at[0].set(0.0)  # padding_idx=0
    pos_table = jax.random.normal(k6, (MAX_SEQ, D_MODEL), dtype=jnp.float32) * 0.02
    scope_w = jax.random.normal(k7, (D_MODEL,), dtype=jnp.float32) * 0.02  # nn.Linear(1, d).weight[:, 0]
    scope_b = jax.random.normal(k8, (D_MODEL,), dtype=jnp.float32) * 0.02
    return {
        "tokens": tokens,
        "token_types": token_types,
        "scope_depth": scope_depth,
        "token_table": token_table,
        "type_table": type_table,
        "pos_table": pos_table,
        "scope_w": scope_w,
        "scope_b": scope_b,
    }


def reference(tokens, token_types, scope_depth, token_table, type_table, pos_table, scope_w, scope_b):
    batch_size, seq_len = tokens.shape
    positions = jnp.broadcast_to(jnp.arange(seq_len)[None, :], (batch_size, seq_len))
    tok_emb = jnp.take(token_table, tokens, axis=0)
    typ_emb = jnp.take(type_table, token_types, axis=0)
    scope_emb = scope_depth[..., None] * scope_w[None, None, :] + scope_b[None, None, :]
    pos_emb = jnp.take(pos_table, positions, axis=0)
    return tok_emb + typ_emb + scope_emb + pos_emb

if __name__ == "__main__":
    import jax
    _d = setup_inputs()
    print(jax.jit(kernel)(*tuple(_d.values())))

</pallas_src>

<mosaic_0001>
#map = affine_map<(d0, d1) -> (0)>
#map1 = affine_map<(d0, d1) -> (0, 0)>
module attributes {stable_mosaic.version = 14 : i64} {
  func.func @k(%arg0: i32, %arg1: i32, %arg2: memref<32768xi32, #tpu.memory_space<hbm>>, %arg3: memref<32768xi32, #tpu.memory_space<hbm>>, %arg4: memref<32768xi32, #tpu.memory_space<hbm>>, %arg5: memref<32768x16xf32, #tpu.memory_space<hbm>>, %arg6: memref<100000x768xf32, #tpu.memory_space<hbm>>, %arg7: memref<2048x768xf32, #tpu.memory_space<hbm>>, %arg8: memref<8192x768xf32, #tpu.memory_space<hbm>>, %arg9: memref<768xf32, #tpu.memory_space<hbm>>, %arg10: memref<768xf32, #tpu.memory_space<hbm>>, %arg11: memref<32768x768xf32, #tpu.memory_space<hbm>>, %arg12: memref<1024xi32, #tpu.memory_space<vmem>>, %arg13: memref<1024xi32, #tpu.memory_space<vmem>>, %arg14: memref<1024xi32, #tpu.memory_space<vmem>>, %arg15: memref<768xf32, #tpu.memory_space<vmem>>, %arg16: memref<768xf32, #tpu.memory_space<vmem>>, %arg17: memref<16x768xf32, #tpu.memory_space<vmem>>, %arg18: memref<16x768xf32, #tpu.memory_space<vmem>>, %arg19: memref<16x768xf32, #tpu.memory_space<vmem>>, %arg20: memref<16x768xf32, #tpu.memory_space<vmem>>, %arg21: memref<16x768xf32, #tpu.memory_space<vmem>>, %arg22: memref<16x768xf32, #tpu.memory_space<vmem>>, %arg23: memref<16x768xf32, #tpu.memory_space<vmem>>, %arg24: memref<16x768xf32, #tpu.memory_space<vmem>>, %arg25: memref<16x768xf32, #tpu.memory_space<vmem>>, %arg26: memref<16x16xf32, #tpu.memory_space<vmem>>, %arg27: memref<16x16xf32, #tpu.memory_space<vmem>>, %arg28: memref<16x16xf32, #tpu.memory_space<vmem>>, %arg29: memref<!tpu.dma_semaphore, #tpu.memory_space<semaphore_mem>>, %arg30: memref<!tpu.dma_semaphore, #tpu.memory_space<semaphore_mem>>, %arg31: memref<!tpu.dma_semaphore, #tpu.memory_space<semaphore_mem>>, %arg32: memref<!tpu.dma_semaphore, #tpu.memory_space<semaphore_mem>>, %arg33: memref<!tpu.dma_semaphore, #tpu.memory_space<semaphore_mem>>, %arg34: memref<!tpu.dma_semaphore, #tpu.memory_space<semaphore_mem>>) attributes {dimension_semantics = [#tpu.dimension_semantics<core_parallel>, #tpu.dimension_semantics<subcore_parallel>], iteration_bounds = array<i64: 2, 16>, scalar_prefetch = 0 : i64, scratch_operands = 23 : i64, tpu.core_type = #tpu.core_type<sc_vector_subcore>, window_params = [{transform_indices = #map}, {transform_indices = #map}, {transform_indices = #map}, {transform_indices = #map1}, {transform_indices = #map1}, {transform_indices = #map1}, {transform_indices = #map1}, {transform_indices = #map}, {transform_indices = #map}, {transform_indices = #map1}]} {
    %mul3A = arith.constant 2 : i32
    %mul3A_0 = arith.muli %arg1, %mul3A : i32
    %add3A = arith.addi %mul3A_0, %arg0 : i32
    %mul3A_1 = arith.constant 1024 : i32
    %mul3A_2 = arith.muli %add3A, %mul3A_1 : i32
    "tpu.region"() ({
      %run_scoped3A = tpu.sem_alloc : memref<!tpu.dma_semaphore, #tpu.memory_space<semaphore_mem>>
      tpu.enqueue_dma source(%arg9 : memref<768xf32, #tpu.memory_space<hbm>>) target(%arg15 : memref<768xf32, #tpu.memory_space<vmem>>) target_semaphore(%run_scoped3A : memref<!tpu.dma_semaphore, #tpu.memory_space<semaphore_mem>>)
      tpu.wait_dma2 semaphore(%run_scoped3A : memref<!tpu.dma_semaphore, #tpu.memory_space<semaphore_mem>>) src(%arg9 : memref<768xf32, #tpu.memory_space<hbm>>) dst(%arg15 : memref<768xf32, #tpu.memory_space<vmem>>)
      tpu.yield
    }) : () -> ()
    "tpu.region"() ({
      %run_scoped3A = tpu.sem_alloc : memref<!tpu.dma_semaphore, #tpu.memory_space<semaphore_mem>>
      tpu.enqueue_dma source(%arg10 : memref<768xf32, #tpu.memory_space<hbm>>) target(%arg16 : memref<768xf32, #tpu.memory_space<vmem>>) target_semaphore(%run_scoped3A : memref<!tpu.dma_semaphore, #tpu.memory_space<semaphore_mem>>)
      tpu.wait_dma2 semaphore(%run_scoped3A : memref<!tpu.dma_semaphore, #tpu.memory_space<semaphore_mem>>) src(%arg10 : memref<768xf32, #tpu.memory_space<hbm>>) dst(%arg16 : memref<768xf32, #tpu.memory_space<vmem>>)
      tpu.yield
    }) : () -> ()
    "tpu.region"() ({
      %run_scoped3A = tpu.sem_alloc : memref<!tpu.dma_semaphore, #tpu.memory_space<semaphore_mem>>
      %dma_start3A_100 = tpu.memref_slice %arg2[%mul3A_2] : memref<32768xi32, #tpu.memory_space<hbm>> -> memref<1024xi32, #tpu.memory_space<hbm>>
      %dma_start3A_101 = tpu.memref_slice %arg2[%mul3A_2] : memref<32768xi32, #tpu.memory_space<hbm>> -> memref<1024xi32, #tpu.memory_space<hbm>>
      tpu.enqueue_dma source(%dma_start3A_101 : memref<1024xi32, #tpu.memory_space<hbm>>) target(%arg12 : memref<1024xi32, #tpu.memory_space<vmem>>) target_semaphore(%run_scoped3A : memref<!tpu.dma_semaphore, #tpu.memory_space<semaphore_mem>>)
      %dma_wait3A_102 = tpu.memref_slice %arg2[%mul3A_2] : memref<32768xi32, #tpu.memory_space<hbm>> -> memref<1024xi32, #tpu.memory_space<hbm>>
      %dma_wait3A_103 = tpu.memref_slice %arg2[%mul3A_2] : memref<32768xi32, #tpu.memory_space<hbm>> -> memref<1024xi32, #tpu.memory_space<hbm>>
      tpu.wait_dma2 semaphore(%run_scoped3A : memref<!tpu.dma_semaphore, #tpu.memory_space<semaphore_mem>>) src(%dma_wait3A_103 : memref<1024xi32, #tpu.memory_space<hbm>>) dst(%arg12 : memref<1024xi32, #tpu.memory_space<vmem>>)
      tpu.yield
    }) : () -> ()
    "tpu.region"() ({
      %run_scoped3A = tpu.sem_alloc : memref<!tpu.dma_semaphore, #tpu.memory_space<semaphore_mem>>
      %dma_start3A_100 = tpu.memref_slice %arg3[%mul3A_2] : memref<32768xi32, #tpu.memory_space<hbm>> -> memref<1024xi32, #tpu.memory_space<hbm>>
      %dma_start3A_101 = tpu.memref_slice %arg3[%mul3A_2] : memref<32768xi32, #tpu.memory_space<hbm>> -> memref<1024xi32, #tpu.memory_space<hbm>>
      tpu.enqueue_dma source(%dma_start3A_101 : memref<1024xi32, #tpu.memory_space<hbm>>) target(%arg13 : memref<1024xi32, #tpu.memory_space<vmem>>) target_semaphore(%run_scoped3A : memref<!tpu.dma_semaphore, #tpu.memory_space<semaphore_mem>>)
      %dma_wait3A_102 = tpu.memref_slice %arg3[%mul3A_2] : memref<32768xi32, #tpu.memory_space<hbm>> -> memref<1024xi32, #tpu.memory_space<hbm>>
      %dma_wait3A_103 = tpu.memref_slice %arg3[%mul3A_2] : memref<32768xi32, #tpu.memory_space<hbm>> -> memref<1024xi32, #tpu.memory_space<hbm>>
      tpu.wait_dma2 semaphore(%run_scoped3A : memref<!tpu.dma_semaphore, #tpu.memory_space<semaphore_mem>>) src(%dma_wait3A_103 : memref<1024xi32, #tpu.memory_space<hbm>>) dst(%arg13 : memref<1024xi32, #tpu.memory_space<vmem>>)
      tpu.yield
    }) : () -> ()
    "tpu.region"() ({
      %run_scoped3A = tpu.sem_alloc : memref<!tpu.dma_semaphore, #tpu.memory_space<semaphore_mem>>
      %dma_start3A_100 = tpu.memref_slice %arg4[%mul3A_2] : memref<32768xi32, #tpu.memory_space<hbm>> -> memref<1024xi32, #tpu.memory_space<hbm>>
      %dma_start3A_101 = tpu.memref_slice %arg4[%mul3A_2] : memref<32768xi32, #tpu.memory_space<hbm>> -> memref<1024xi32, #tpu.memory_space<hbm>>
      tpu.enqueue_dma source(%dma_start3A_101 : memref<1024xi32, #tpu.memory_space<hbm>>) target(%arg14 : memref<1024xi32, #tpu.memory_space<vmem>>) target_semaphore(%run_scoped3A : memref<!tpu.dma_semaphore, #tpu.memory_space<semaphore_mem>>)
      %dma_wait3A_102 = tpu.memref_slice %arg4[%mul3A_2] : memref<32768xi32, #tpu.memory_space<hbm>> -> memref<1024xi32, #tpu.memory_space<hbm>>
      %dma_wait3A_103 = tpu.memref_slice %arg4[%mul3A_2] : memref<32768xi32, #tpu.memory_space<hbm>> -> memref<1024xi32, #tpu.memory_space<hbm>>
      tpu.wait_dma2 semaphore(%run_scoped3A : memref<!tpu.dma_semaphore, #tpu.memory_space<semaphore_mem>>) src(%dma_wait3A_103 : memref<1024xi32, #tpu.memory_space<hbm>>) dst(%arg14 : memref<1024xi32, #tpu.memory_space<vmem>>)
      tpu.yield
    }) : () -> ()
    %multiple_of3A = arith.constant 0 : i32
    %multiple_of3A_3 = tpu.assume_multiple %multiple_of3A, 16 : i32
    %add3A_4 = arith.constant 0 : i32
    %add3A_5 = arith.addi %mul3A_2, %add3A_4 : i32
    %dma_start3A = tpu.memref_slice %arg12[%multiple_of3A_3] : memref<1024xi32, #tpu.memory_space<vmem>> -> memref<16xi32, #tpu.memory_space<vmem>>
    %dma_start3A_6 = arith.constant 0 : i32
    %dma_start3A_7 = arith.constant 0 : i32
    %dma_start3A_8 = tpu.memref_slice %arg6[%dma_start3A_6, %dma_start3A_7] : memref<100000x768xf32, #tpu.memory_space<hbm>> -> memref<100000x768xf32, #tpu.memory_space<hbm>>
    tpu.enqueue_indirect_dma source(%dma_start3A_8 : memref<100000x768xf32, #tpu.memory_space<hbm>>) target(%arg17 : memref<16x768xf32, #tpu.memory_space<vmem>>) offsets(%dma_start3A : memref<16xi32, #tpu.memory_space<vmem>>) semaphore(%arg29 : memref<!tpu.dma_semaphore, #tpu.memory_space<semaphore_mem>>)
    %dma_start3A_9 = tpu.memref_slice %arg13[%multiple_of3A_3] : memref<1024xi32, #tpu.memory_space<vmem>> -> memref<16xi32, #tpu.memory_space<vmem>>
    %dma_start3A_10 = arith.constant 0 : i32
    %dma_start3A_11 = arith.constant 0 : i32
    %dma_start3A_12 = tpu.memref_slice %arg7[%dma_start3A_10, %dma_start3A_11] : memref<2048x768xf32, #tpu.memory_space<hbm>> -> memref<2048x768xf32, #tpu.memory_space<hbm>>
    tpu.enqueue_indirect_dma source(%dma_start3A_12 : memref<2048x768xf32, #tpu.memory_space<hbm>>) target(%arg20 : memref<16x768xf32, #tpu.memory_space<vmem>>) offsets(%dma_start3A_9 : memref<16xi32, #tpu.memory_space<vmem>>) semaphore(%arg29 : memref<!tpu.dma_semaphore, #tpu.memory_space<semaphore_mem>>)
    %dma_start3A_13 = tpu.memref_slice %arg14[%multiple_of3A_3] : memref<1024xi32, #tpu.memory_space<vmem>> -> memref<16xi32, #tpu.memory_space<vmem>>
    %dma_start3A_14 = arith.constant 0 : i32
    %dma_start3A_15 = arith.constant 0 : i32
    %dma_start3A_16 = tpu.memref_slice %arg8[%dma_start3A_14, %dma_start3A_15] : memref<8192x768xf32, #tpu.memory_space<hbm>> -> memref<8192x768xf32, #tpu.memory_space<hbm>>
    tpu.enqueue_indirect_dma source(%dma_start3A_16 : memref<8192x768xf32, #tpu.memory_space<hbm>>) target(%arg23 : memref<16x768xf32, #tpu.memory_space<vmem>>) offsets(%dma_start3A_13 : memref<16xi32, #tpu.memory_space<vmem>>) semaphore(%arg29 : memref<!tpu.dma_semaphore, #tpu.memory_space<semaphore_mem>>)
    %dma_start3A_17 = arith.constant 0 : i32
    %dma_start3A_18 = tpu.memref_slice %arg5[%add3A_5, %dma_start3A_17] : memref<32768x16xf32, #tpu.memory_space<hbm>> -> memref<16x16xf32, #tpu.memory_space<hbm>>
    %dma_start3A_19 = arith.constant 0 : i32
    %dma_start3A_20 = tpu.memref_slice %arg5[%add3A_5, %dma_start3A_19] : memref<32768x16xf32, #tpu.memory_space<hbm>> -> memref<16x16xf32, #tpu.memory_space<hbm>>
    tpu.enqueue_dma source(%dma_start3A_20 : memref<16x16xf32, #tpu.memory_space<hbm>>) target(%arg26 : memref<16x16xf32, #tpu.memory_space<vmem>>) target_semaphore(%arg29 : memref<!tpu.dma_semaphore, #tpu.memory_space<semaphore_mem>>)
    %multiple_of3A_21 = arith.constant 16 : i32
    %multiple_of3A_22 = tpu.assume_multiple %multiple_of3A_21, 16 : i32
    %add3A_23 = arith.constant 16 : i32
    %add3A_24 = arith.addi %mul3A_2, %add3A_23 : i32
    %dma_start3A_25 = tpu.memref_slice %arg12[%multiple_of3A_22] : memref<1024xi32, #tpu.memory_space<vmem>> -> memref<16xi32, #tpu.memory_space<vmem>>
    %dma_start3A_26 = arith.constant 0 : i32
    %dma_start3A_27 = arith.constant 0 : i32
    %dma_start3A_28 = tpu.memref_slice %arg6[%dma_start3A_26, %dma_start3A_27] : memref<100000x768xf32, #tpu.memory_space<hbm>> -> memref<100000x768xf32, #tpu.memory_space<hbm>>
    tpu.enqueue_indirect_dma source(%dma_start3A_28 : memref<100000x768xf32, #tpu.memory_space<hbm>>) target(%arg18 : memref<16x768xf32, #tpu.memory_space<vmem>>) offsets(%dma_start3A_25 : memref<16xi32, #tpu.memory_space<vmem>>) semaphore(%arg30 : memref<!tpu.dma_semaphore, #tpu.memory_space<semaphore_mem>>)
    %dma_start3A_29 = tpu.memref_slice %arg13[%multiple_of3A_22] : memref<1024xi32, #tpu.memory_space<vmem>> -> memref<16xi32, #tpu.memory_space<vmem>>
    %dma_start3A_30 = arith.constant 0 : i32
    %dma_start3A_31 = arith.constant 0 : i32
    %dma_start3A_32 = tpu.memref_slice %arg7[%dma_start3A_30, %dma_start3A_31] : memref<2048x768xf32, #tpu.memory_space<hbm>> -> memref<2048x768xf32, #tpu.memory_space<hbm>>
    tpu.enqueue_indirect_dma source(%dma_start3A_32 : memref<2048x768xf32, #tpu.memory_space<hbm>>) target(%arg21 : memref<16x768xf32, #tpu.memory_space<vmem>>) offsets(%dma_start3A_29 : memref<16xi32, #tpu.memory_space<vmem>>) semaphore(%arg30 : memref<!tpu.dma_semaphore, #tpu.memory_space<semaphore_mem>>)
    %dma_start3A_33 = tpu.memref_slice %arg14[%multiple_of3A_22] : memref<1024xi32, #tpu.memory_space<vmem>> -> memref<16xi32, #tpu.memory_space<vmem>>
    %dma_start3A_34 = arith.constant 0 : i32
    %dma_start3A_35 = arith.constant 0 : i32
    %dma_start3A_36 = tpu.memref_slice %arg8[%dma_start3A_34, %dma_start3A_35] : memref<8192x768xf32, #tpu.memory_space<hbm>> -> memref<8192x768xf32, #tpu.memory_space<hbm>>
    tpu.enqueue_indirect_dma source(%dma_start3A_36 : memref<8192x768xf32, #tpu.memory_space<hbm>>) target(%arg24 : memref<16x768xf32, #tpu.memory_space<vmem>>) offsets(%dma_start3A_33 : memref<16xi32, #tpu.memory_space<vmem>>) semaphore(%arg30 : memref<!tpu.dma_semaphore, #tpu.memory_space<semaphore_mem>>)
    %dma_start3A_37 = arith.constant 0 : i32
    %dma_start3A_38 = tpu.memref_slice %arg5[%add3A_24, %dma_start3A_37] : memref<32768x16xf32, #tpu.memory_space<hbm>> -> memref<16x16xf32, #tpu.memory_space<hbm>>
    %dma_start3A_39 = arith.constant 0 : i32
    %dma_start3A_40 = tpu.memref_slice %arg5[%add3A_24, %dma_start3A_39] : memref<32768x16xf32, #tpu.memory_space<hbm>> -> memref<16x16xf32, #tpu.memory_space<hbm>>
    tpu.enqueue_dma source(%dma_start3A_40 : memref<16x16xf32, #tpu.memory_space<hbm>>) target(%arg27 : memref<16x16xf32, #tpu.memory_space<vmem>>) target_semaphore(%arg30 : memref<!tpu.dma_semaphore, #tpu.memory_space<semaphore_mem>>)
    %scan3A = arith.constant 0 : i32
    %scan3A_41 = arith.constant 0 : i32
    %scan3A_42 = arith.constant 21 : i32
    %scan3A_43 = arith.addi %scan3A_41, %scan3A_42 : i32
    %scan3A_44 = arith.constant 1 : i32
    scf.for %scan3A_100 = %scan3A_41 to %scan3A_43 step %scan3A_44  : i32 {
      %mul3A_101 = arith.constant 3 : i32
      %mul3A_102 = arith.muli %scan3A_100, %mul3A_101 : i32
      %add3A_103 = arith.constant 0 : i32
      %add3A_104 = arith.addi %mul3A_102, %add3A_103 : i32
      %dma_wait3A_105 = arith.constant 0 : i32
      %dma_wait3A_106 = arith.constant 0 : i32
      %dma_wait3A_107 = tpu.memref_slice %arg6[%dma_wait3A_105, %dma_wait3A_106] : memref<100000x768xf32, #tpu.memory_space<hbm>> -> memref<16x768xf32, #tpu.memory_space<hbm>>
      %dma_wait3A_108 = arith.constant 0 : i32
      %dma_wait3A_109 = arith.constant 0 : i32
      %dma_wait3A_110 = tpu.memref_slice %arg6[%dma_wait3A_108, %dma_wait3A_109] : memref<100000x768xf32, #tpu.memory_space<hbm>> -> memref<16x768xf32, #tpu.memory_space<hbm>>
      tpu.wait_dma2 semaphore(%arg29 : memref<!tpu.dma_semaphore, #tpu.memory_space<semaphore_mem>>) src(%dma_wait3A_110 : memref<16x768xf32, #tpu.memory_space<hbm>>) dst(%arg17 : memref<16x768xf32, #tpu.memory_space<vmem>>)
      %dma_wait3A_111 = arith.constant 0 : i32
      %dma_wait3A_112 = arith.constant 0 : i32
      %dma_wait3A_113 = tpu.memref_slice %arg7[%dma_wait3A_111, %dma_wait3A_112] : memref<2048x768xf32, #tpu.memory_space<hbm>> -> memref<16x768xf32, #tpu.memory_space<hbm>>
      %dma_wait3A_114 = arith.constant 0 : i32
      %dma_wait3A_115 = arith.constant 0 : i32
      %dma_wait3A_116 = tpu.memref_slice %arg7[%dma_wait3A_114, %dma_wait3A_115] : memref<2048x768xf32, #tpu.memory_space<hbm>> -> memref<16x768xf32, #tpu.memory_space<hbm>>
      tpu.wait_dma2 semaphore(%arg29 : memref<!tpu.dma_semaphore, #tpu.memory_space<semaphore_mem>>) src(%dma_wait3A_116 : memref<16x768xf32, #tpu.memory_space<hbm>>) dst(%arg20 : memref<16x768xf32, #tpu.memory_space<vmem>>)
      %dma_wait3A_117 = arith.constant 0 : i32
      %dma_wait3A_118 = arith.constant 0 : i32
      %dma_wait3A_119 = tpu.memref_slice %arg8[%dma_wait3A_117, %dma_wait3A_118] : memref<8192x768xf32, #tpu.memory_space<hbm>> -> memref<16x768xf32, #tpu.memory_space<hbm>>
      %dma_wait3A_120 = arith.constant 0 : i32
      %dma_wait3A_121 = arith.constant 0 : i32
      %dma_wait3A_122 = tpu.memref_slice %arg8[%dma_wait3A_120, %dma_wait3A_121] : memref<8192x768xf32, #tpu.memory_space<hbm>> -> memref<16x768xf32, #tpu.memory_space<hbm>>
      tpu.wait_dma2 semaphore(%arg29 : memref<!tpu.dma_semaphore, #tpu.memory_space<semaphore_mem>>) src(%dma_wait3A_122 : memref<16x768xf32, #tpu.memory_space<hbm>>) dst(%arg23 : memref<16x768xf32, #tpu.memory_space<vmem>>)
      %dma_wait3A_123 = arith.constant 0 : i32
      %dma_wait3A_124 = arith.constant 0 : i32
      %dma_wait3A_125 = tpu.memref_slice %arg5[%dma_wait3A_123, %dma_wait3A_124] : memref<32768x16xf32, #tpu.memory_space<hbm>> -> memref<16x16xf32, #tpu.memory_space<hbm>>
      %dma_wait3A_126 = arith.constant 0 : i32
      %dma_wait3A_127 = arith.constant 0 : i32
      %dma_wait3A_128 = tpu.memref_slice %arg5[%dma_wait3A_126, %dma_wait3A_127] : memref<32768x16xf32, #tpu.memory_space<hbm>> -> memref<16x16xf32, #tpu.memory_space<hbm>>
      tpu.wait_dma2 semaphore(%arg29 : memref<!tpu.dma_semaphore, #tpu.memory_space<semaphore_mem>>) src(%dma_wait3A_128 : memref<16x16xf32, #tpu.memory_space<hbm>>) dst(%arg26 : memref<16x16xf32, #tpu.memory_space<vmem>>)
      %add3A_129 = arith.constant 2 : i32
      %add3A_130 = arith.addi %add3A_104, %add3A_129 : i32
      %lt3A = arith.constant 64 : i32
      %lt3A_131 = arith.cmpi slt, %add3A_130, %lt3A : i32
      %convert_element_type3A = arith.extui %lt3A_131 : i1 to i32
      %cond3A = arith.constant 0 : i32
      %cond3A_132 = arith.cmpi ne, %convert_element_type3A, %cond3A : i32
      scf.if %cond3A_132 {
        %ge3A = arith.constant 1 : i32
        %ge3A_245 = arith.cmpi sge, %add3A_104, %ge3A : i32
        %convert_element_type3A_246 = arith.extui %ge3A_245 : i1 to i32
        %cond3A_247 = arith.constant 0 : i32
        %cond3A_248 = arith.cmpi ne, %convert_element_type3A_246, %cond3A_247 : i32
        scf.if %cond3A_248 {
          %dma_wait3A_273 = arith.constant 0 : i32
          %dma_wait3A_274 = arith.constant 0 : i32
          %dma_wait3A_275 = tpu.memref_slice %arg6[%dma_wait3A_273, %dma_wait3A_274] : memref<100000x768xf32, #tpu.memory_space<hbm>> -> memref<16x768xf32, #tpu.memory_space<hbm>>
          %dma_wait3A_276 = arith.constant 0 : i32
          %dma_wait3A_277 = arith.constant 0 : i32
          %dma_wait3A_278 = tpu.memref_slice %arg6[%dma_wait3A_276, %dma_wait3A_277] : memref<100000x768xf32, #tpu.memory_space<hbm>> -> memref<16x768xf32, #tpu.memory_space<hbm>>
          tpu.wait_dma2 semaphore(%arg34 : memref<!tpu.dma_semaphore, #tpu.memory_space<semaphore_mem>>) src(%dma_wait3A_278 : memref<16x768xf32, #tpu.memory_space<hbm>>) dst(%arg19 : memref<16x768xf32, #tpu.memory_space<vmem>>)
        } else {
        }
        %add3A_249 = arith.constant 2 : i32
        %add3A_250 = arith.addi %add3A_104, %add3A_249 : i32
        %mul3A_251 = arith.constant 16 : i32
        %mul3A_252 = arith.muli %add3A_250, %mul3A_251 : i32
        %multiple_of3A_253 = tpu.assume_multiple %mul3A_252, 16 : i32
        %mul3A_254 = arith.constant 16 : i32
        %mul3A_255 = arith.muli %add3A_250, %mul3A_254 : i32
        %add3A_256 = arith.addi %mul3A_2, %mul3A_255 : i32
        %dma_start3A_257 = tpu.memref_slice %arg12[%multiple_of3A_253] : memref<1024xi32, #tpu.memory_space<vmem>> -> memref<16xi32, #tpu.memory_space<vmem>>
        %dma_start3A_258 = arith.constant 0 : i32
        %dma_start3A_259 = arith.constant 0 : i32
        %dma_start3A_260 = tpu.memref_slice %arg6[%dma_start3A_258, %dma_start3A_259] : memref<100000x768xf32, #tpu.memory_space<hbm>> -> memref<100000x768xf32, #tpu.memory_space<hbm>>
        tpu.enqueue_indirect_dma source(%dma_start3A_260 : memref<100000x768xf32, #tpu.memory_space<hbm>>) target(%arg19 : memref<16x768xf32, #tpu.memory_space<vmem>>) offsets(%dma_start3A_257 : memref<16xi32, #tpu.memory_space<vmem>>) semaphore(%arg31 : memref<!tpu.dma_semaphore, #tpu.memory_space<semaphore_mem>>)
        %dma_start3A_261 = tpu.memref_slice %arg13[%multiple_of3A_253] : memref<1024xi32, #tpu.memory_space<vmem>> -> memref<16xi32, #tpu.memory_space<vmem>>
        %dma_start3A_262 = arith.constant 0 : i32
        %dma_start3A_263 = arith.constant 0 : i32
        %dma_start3A_264 = tpu.memref_slice %arg7[%dma_start3A_262, %dma_start3A_263] : memref<2048x768xf32, #tpu.memory_space<hbm>> -> memref<2048x768xf32, #tpu.memory_space<hbm>>
        tpu.enqueue_indirect_dma source(%dma_start3A_264 : memref<2048x768xf32, #tpu.memory_space<hbm>>) target(%arg22 : memref<16x768xf32, #tpu.memory_space<vmem>>) offsets(%dma_start3A_261 : memref<16xi32, #tpu.memory_space<vmem>>) semaphore(%arg31 : memref<!tpu.dma_semaphore, #tpu.memory_space<semaphore_mem>>)
        %dma_start3A_265 = tpu.memref_slice %arg14[%multiple_of3A_253] : memref<1024xi32, #tpu.memory_space<vmem>> -> memref<16xi32, #tpu.memory_space<vmem>>
        %dma_start3A_266 = arith.constant 0 : i32
        %dma_start3A_267 = arith.constant 0 : i32
        %dma_start3A_268 = tpu.memref_slice %arg8[%dma_start3A_266, %dma_start3A_267] : memref<8192x768xf32, #tpu.memory_space<hbm>> -> memref<8192x768xf32, #tpu.memory_space<hbm>>
        tpu.enqueue_indirect_dma source(%dma_start3A_268 : memref<8192x768xf32, #tpu.memory_space<hbm>>) target(%arg25 : memref<16x768xf32, #tpu.memory_space<vmem>>) offsets(%dma_start3A_265 : memref<16xi32, #tpu.memory_space<vmem>>) semaphore(%arg31 : memref<!tpu.dma_semaphore, #tpu.memory_space<semaphore_mem>>)
        %dma_start3A_269 = arith.constant 0 : i32
        %dma_start3A_270 = tpu.memref_slice %arg5[%add3A_256, %dma_start3A_269] : memref<32768x16xf32, #tpu.memory_space<hbm>> -> memref<16x16xf32, #tpu.memory_space<hbm>>
        %dma_start3A_271 = arith.constant 0 : i32
        %dma_start3A_272 = tpu.memref_slice %arg5[%add3A_256, %dma_start3A_271] : memref<32768x16xf32, #tpu.memory_space<hbm>> -> memref<16x16xf32, #tpu.memory_space<hbm>>
        tpu.enqueue_dma source(%dma_start3A_272 : memref<16x16xf32, #tpu.memory_space<hbm>>) target(%arg28 : memref<16x16xf32, #tpu.memory_space<vmem>>) target_semaphore(%arg31 : memref<!tpu.dma_semaphore, #tpu.memory_space<semaphore_mem>>)
      } else {
      }
      %scan3A_133 = arith.constant 0 : i32
      %scan3A_134 = arith.constant 0 : i32
      %scan3A_135 = arith.constant 2 : i32
      %scan3A_136 = arith.addi %scan3A_134, %scan3A_135 : i32
      %scan3A_137 = arith.constant 1 : i32
      %scan3A_138 = scf.for %scan3A_245 = %scan3A_134 to %scan3A_136 step %scan3A_137 iter_args(%scan3A_246 = %scan3A_133) -> (i32)  : i32 {
        %mul3A_247 = arith.constant 8 : i32
        %mul3A_248 = arith.muli %scan3A_245, %mul3A_247 : i32
        %add3A_249 = arith.constant 0 : i32
        %add3A_250 = arith.addi %mul3A_248, %add3A_249 : i32
        %get3A = arith.index_cast %add3A_250 : i32 to index
        %get3A_251 = arith.constant 0 : index
        %get3A_252 = tpu.vector_load %arg26[%get3A, %get3A_251] {strides = array<i32>} : memref<16x16xf32, #tpu.memory_space<vmem>>, vector<1x16xf32>,
        %get3A_253 = vector.shape_cast %get3A_252 : vector<1x16xf32> to vector<16xf32>
        %add3A_254 = arith.constant 1 : i32
        %add3A_255 = arith.addi %mul3A_248, %add3A_254 : i32
        %get3A_256 = arith.index_cast %add3A_255 : i32 to index
        %get3A_257 = arith.constant 0 : index
        %get3A_258 = tpu.vector_load %arg26[%get3A_256, %get3A_257] {strides = array<i32>} : memref<16x16xf32, #tpu.memory_space<vmem>>, vector<1x16xf32>,
        %get3A_259 = vector.shape_cast %get3A_258 : vector<1x16xf32> to vector<16xf32>
        %add3A_260 = arith.constant 2 : i32
        %add3A_261 = arith.addi %mul3A_248, %add3A_260 : i32
        %get3A_262 = arith.index_cast %add3A_261 : i32 to index
        %get3A_263 = arith.constant 0 : index
        %get3A_264 = tpu.vector_load %arg26[%get3A_262, %get3A_263] {strides = array<i32>} : memref<16x16xf32, #tpu.memory_space<vmem>>, vector<1x16xf32>,
        %get3A_265 = vector.shape_cast %get3A_264 : vector<1x16xf32> to vector<16xf32>
        %add3A_266 = arith.constant 3 : i32
        %add3A_267 = arith.addi %mul3A_248, %add3A_266 : i32
        %get3A_268 = arith.index_cast %add3A_267 : i32 to index
        %get3A_269 = arith.constant 0 : index
        %get3A_270 = tpu.vector_load %arg26[%get3A_268, %get3A_269] {strides = array<i32>} : memref<16x16xf32, #tpu.memory_space<vmem>>, vector<1x16xf32>,
        %get3A_271 = vector.shape_cast %get3A_270 : vector<1x16xf32> to vector<16xf32>
        %add3A_272 = arith.constant 4 : i32
        %add3A_273 = arith.addi %mul3A_248, %add3A_272 : i32
        %get3A_274 = arith.index_cast %add3A_273 : i32 to index
        %get3A_275 = arith.constant 0 : index
        %get3A_276 = tpu.vector_load %arg26[%get3A_274, %get3A_275] {strides = array<i32>} : memref<16x16xf32, #tpu.memory_space<vmem>>, vector<1x16xf32>,
        %get3A_277 = vector.shape_cast %get3A_276 : vector<1x16xf32> to vector<16xf32>
        %add3A_278 = arith.constant 5 : i32
        %add3A_279 = arith.addi %mul3A_248, %add3A_278 : i32
        %get3A_280 = arith.index_cast %add3A_279 : i32 to index
        %get3A_281 = arith.constant 0 : index
        %get3A_282 = tpu.vector_load %arg26[%get3A_280, %get3A_281] {strides = array<i32>} : memref<16x16xf32, #tpu.memory_space<vmem>>, vector<1x16xf32>,
        %get3A_283 = vector.shape_cast %get3A_282 : vector<1x16xf32> to vector<16xf32>
        %add3A_284 = arith.constant 6 : i32
        %add3A_285 = arith.addi %mul3A_248, %add3A_284 : i32
        %get3A_286 = arith.index_cast %add3A_285 : i32 to index
        %get3A_287 = arith.constant 0 : index
        %get3A_288 = tpu.vector_load %arg26[%get3A_286, %get3A_287] {strides = array<i32>} : memref<16x16xf32, #tpu.memory_space<vmem>>, vector<1x16xf32>,
        %get3A_289 = vector.shape_cast %get3A_288 : vector<1x16xf32> to vector<16xf32>
        %add3A_290 = arith.constant 7 : i32
        %add3A_291 = arith.addi %mul3A_248, %add3A_290 : i32
        %get3A_292 = arith.index_cast %add3A_291 : i32 to index
        %get3A_293 = arith.constant 0 : index
        %get3A_294 = tpu.vector_load %arg26[%get3A_292, %get3A_293] {strides = array<i32>} : memref<16x16xf32, #tpu.memory_space<vmem>>, vector<1x16xf32>,
        %get3A_295 = vector.shape_cast %get3A_294 : vector<1x16xf32> to vector<16xf32>
        %scan3A_296 = arith.constant 0 : i32
        %scan3A_297 = arith.constant 0 : i32
        %scan3A_298 = arith.constant 48 : i32
        %scan3A_299 = arith.addi %scan3A_297, %scan3A_298 : i32
        %scan3A_300 = arith.constant 1 : i32
        %scan3A_301 = scf.for %scan3A_304 = %scan3A_297 to %scan3A_299 step %scan3A_300 iter_args(%scan3A_305 = %scan3A_296) -> (i32)  : i32 {
          %mul3A_306 = arith.constant 16 : i32
          %mul3A_307 = arith.muli %scan3A_304, %mul3A_306 : i32
          %multiple_of3A_308 = tpu.assume_multiple %mul3A_307, 16 : i32
          %get3A_309 = arith.index_cast %multiple_of3A_308 : i32 to index
          %get3A_310 = tpu.vector_load %arg15[%get3A_309] {strides = array<i32>} : memref<768xf32, #tpu.memory_space<vmem>>, vector<16xf32>,
          %get3A_311 = vector.shape_cast %get3A_310 : vector<16xf32> to vector<16xf32>
          %get3A_312 = arith.index_cast %multiple_of3A_308 : i32 to index
          %get3A_313 = tpu.vector_load %arg16[%get3A_312] {strides = array<i32>} : memref<768xf32, #tpu.memory_space<vmem>>, vector<16xf32>,
          %get3A_314 = vector.shape_cast %get3A_313 : vector<16xf32> to vector<16xf32>
          %add3A_315 = arith.constant 0 : i32
          %add3A_316 = arith.addi %mul3A_248, %add3A_315 : i32
          %get3A_317 = arith.index_cast %add3A_316 : i32 to index
          %get3A_318 = arith.index_cast %multiple_of3A_308 : i32 to index
          %get3A_319 = tpu.vector_load %arg20[%get3A_317, %get3A_318] {strides = array<i32>} : memref<16x768xf32, #tpu.memory_space<vmem>>, vector<1x16xf32>,
          %get3A_320 = vector.shape_cast %get3A_319 : vector<1x16xf32> to vector<16xf32>
          %get3A_321 = arith.index_cast %add3A_316 : i32 to index
          %get3A_322 = arith.index_cast %multiple_of3A_308 : i32 to index
          %get3A_323 = tpu.vector_load %arg23[%get3A_321, %get3A_322] {strides = array<i32>} : memref<16x768xf32, #tpu.memory_space<vmem>>, vector<1x16xf32>,
          %get3A_324 = vector.shape_cast %get3A_323 : vector<1x16xf32> to vector<16xf32>
          %add3A_325 = arith.addf %get3A_320, %get3A_324 : vector<16xf32>
          %mul3A_326 = arith.mulf %get3A_253, %get3A_311 : vector<16xf32>
          %add3A_327 = arith.addf %add3A_325, %mul3A_326 : vector<16xf32>
          %add3A_328 = arith.addf %add3A_327, %get3A_314 : vector<16xf32>
          %swap3A = arith.index_cast %add3A_316 : i32 to index
          %swap3A_329 = arith.index_cast %multiple_of3A_308 : i32 to index
          %swap3A_330 = tpu.vector_load %arg17[%swap3A, %swap3A_329] {strides = array<i32>} : memref<16x768xf32, #tpu.memory_space<vmem>>, vector<1x16xf32>,
          %swap3A_331 = vector.shape_cast %swap3A_330 : vector<1x16xf32> to vector<16xf32>
          %swap3A_332 = vector.shape_cast %add3A_328 : vector<16xf32> to vector<1x16xf32>
          tpu.vector_store %arg17[%swap3A, %swap3A_329], %swap3A_332 {add = true, strides = array<i32>} : memref<16x768xf32, #tpu.memory_space<vmem>>, vector<1x16xf32>,
          %add3A_333 = arith.constant 1 : i32
          %add3A_334 = arith.addi %mul3A_248, %add3A_333 : i32
          %get3A_335 = arith.index_cast %add3A_334 : i32 to index
          %get3A_336 = arith.index_cast %multiple_of3A_308 : i32 to index
          %get3A_337 = tpu.vector_load %arg20[%get3A_335, %get3A_336] {strides = array<i32>} : memref<16x768xf32, #tpu.memory_space<vmem>>, vector<1x16xf32>,
          %get3A_338 = vector.shape_cast %get3A_337 : vector<1x16xf32> to vector<16xf32>
          %get3A_339 = arith.index_cast %add3A_334 : i32 to index
          %get3A_340 = arith.index_cast %multiple_of3A_308 : i32 to index
          %get3A_341 = tpu.vector_load %arg23[%get3A_339, %get3A_340] {strides = array<i32>} : memref<16x768xf32, #tpu.memory_space<vmem>>, vector<1x16xf32>,
          %get3A_342 = vector.shape_cast %get3A_341 : vector<1x16xf32> to vector<16xf32>
          %add3A_343 = arith.addf %get3A_338, %get3A_342 : vector<16xf32>
          %mul3A_344 = arith.mulf %get3A_259, %get3A_311 : vector<16xf32>
          %add3A_345 = arith.addf %add3A_343, %mul3A_344 : vector<16xf32>
          %add3A_346 = arith.addf %add3A_345, %get3A_314 : vector<16xf32>
          %swap3A_347 = arith.index_cast %add3A_334 : i32 to index
          %swap3A_348 = arith.index_cast %multiple_of3A_308 : i32 to index
          %swap3A_349 = tpu.vector_load %arg17[%swap3A_347, %swap3A_348] {strides = array<i32>} : memref<16x768xf32, #tpu.memory_space<vmem>>, vector<1x16xf32>,
          %swap3A_350 = vector.shape_cast %swap3A_349 : vector<1x16xf32> to vector<16xf32>
          %swap3A_351 = vector.shape_cast %add3A_346 : vector<16xf32> to vector<1x16xf32>
          tpu.vector_store %arg17[%swap3A_347, %swap3A_348], %swap3A_351 {add = true, strides = array<i32>} : memref<16x768xf32, #tpu.memory_space<vmem>>, vector<1x16xf32>,
          %add3A_352 = arith.constant 2 : i32
          %add3A_353 = arith.addi %mul3A_248, %add3A_352 : i32
          %get3A_354 = arith.index_cast %add3A_353 : i32 to index
          %get3A_355 = arith.index_cast %multiple_of3A_308 : i32 to index
          %get3A_356 = tpu.vector_load %arg20[%get3A_354, %get3A_355] {strides = array<i32>} : memref<16x768xf32, #tpu.memory_space<vmem>>, vector<1x16xf32>,
          %get3A_357 = vector.shape_cast %get3A_356 : vector<1x16xf32> to vector<16xf32>
          %get3A_358 = arith.index_cast %add3A_353 : i32 to index
          %get3A_359 = arith.index_cast %multiple_of3A_308 : i32 to index
          %get3A_360 = tpu.vector_load %arg23[%get3A_358, %get3A_359] {strides = array<i32>} : memref<16x768xf32, #tpu.memory_space<vmem>>, vector<1x16xf32>,
          %get3A_361 = vector.shape_cast %get3A_360 : vector<1x16xf32> to vector<16xf32>
          %add3A_362 = arith.addf %get3A_357, %get3A_361 : vector<16xf32>
          %mul3A_363 = arith.mulf %get3A_265, %get3A_311 : vector<16xf32>
          %add3A_364 = arith.addf %add3A_362, %mul3A_363 : vector<16xf32>
          %add3A_365 = arith.addf %add3A_364, %get3A_314 : vector<16xf32>
          %swap3A_366 = arith.index_cast %add3A_353 : i32 to index
          %swap3A_367 = arith.index_cast %multiple_of3A_308 : i32 to index
          %swap3A_368 = tpu.vector_load %arg17[%swap3A_366, %swap3A_367] {strides = array<i32>} : memref<16x768xf32, #tpu.memory_space<vmem>>, vector<1x16xf32>,
          %swap3A_369 = vector.shape_cast %swap3A_368 : vector<1x16xf32> to vector<16xf32>
          %swap3A_370 = vector.shape_cast %add3A_365 : vector<16xf32> to vector<1x16xf32>
          tpu.vector_store %arg17[%swap3A_366, %swap3A_367], %swap3A_370 {add = true, strides = array<i32>} : memref<16x768xf32, #tpu.memory_space<vmem>>, vector<1x16xf32>,
          %add3A_371 = arith.constant 3 : i32
          %add3A_372 = arith.addi %mul3A_248, %add3A_371 : i32
          %get3A_373 = arith.index_cast %add3A_372 : i32 to index
          %get3A_374 = arith.index_cast %multiple_of3A_308 : i32 to index
          %get3A_375 = tpu.vector_load %arg20[%get3A_373, %get3A_374] {strides = array<i32>} : memref<16x768xf32, #tpu.memory_space<vmem>>, vector<1x16xf32>,
          %get3A_376 = vector.shape_cast %get3A_375 : vector<1x16xf32> to vector<16xf32>
          %get3A_377 = arith.index_cast %add3A_372 : i32 to index
          %get3A_378 = arith.index_cast %multiple_of3A_308 : i32 to index
          %get3A_379 = tpu.vector_load %arg23[%get3A_377, %get3A_378] {strides = array<i32>} : memref<16x768xf32, #tpu.memory_space<vmem>>, vector<1x16xf32>,
          %get3A_380 = vector.shape_cast %get3A_379 : vector<1x16xf32> to vector<16xf32>
          %add3A_381 = arith.addf %get3A_376, %get3A_380 : vector<16xf32>
          %mul3A_382 = arith.mulf %get3A_271, %get3A_311 : vector<16xf32>
          %add3A_383 = arith.addf %add3A_381, %mul3A_382 : vector<16xf32>
          %add3A_384 = arith.addf %add3A_383, %get3A_314 : vector<16xf32>
          %swap3A_385 = arith.index_cast %add3A_372 : i32 to index
          %swap3A_386 = arith.index_cast %multiple_of3A_308 : i32 to index
          %swap3A_387 = tpu.vector_load %arg17[%swap3A_385, %swap3A_386] {strides = array<i32>} : memref<16x768xf32, #tpu.memory_space<vmem>>, vector<1x16xf32>,
          %swap3A_388 = vector.shape_cast %swap3A_387 : vector<1x16xf32> to vector<16xf32>
          %swap3A_389 = vector.shape_cast %add3A_384 : vector<16xf32> to vector<1x16xf32>
          tpu.vector_store %arg17[%swap3A_385, %swap3A_386], %swap3A_389 {add = true, strides = array<i32>} : memref<16x768xf32, #tpu.memory_space<vmem>>, vector<1x16xf32>,
          %add3A_390 = arith.constant 4 : i32
          %add3A_391 = arith.addi %mul3A_248, %add3A_390 : i32
          %get3A_392 = arith.index_cast %add3A_391 : i32 to index
          %get3A_393 = arith.index_cast %multiple_of3A_308 : i32 to index
          %get3A_394 = tpu.vector_load %arg20[%get3A_392, %get3A_393] {strides = array<i32>} : memref<16x768xf32, #tpu.memory_space<vmem>>, vector<1x16xf32>,
          %get3A_395 = vector.shape_cast %get3A_394 : vector<1x16xf32> to vector<16xf32>
          %get3A_396 = arith.index_cast %add3A_391 : i32 to index
          %get3A_397 = arith.index_cast %multiple_of3A_308 : i32 to index
          %get3A_398 = tpu.vector_load %arg23[%get3A_396, %get3A_397] {strides = array<i32>} : memref<16x768xf32, #tpu.memory_space<vmem>>, vector<1x16xf32>,
          %get3A_399 = vector.shape_cast %get3A_398 : vector<1x16xf32> to vector<16xf32>
          %add3A_400 = arith.addf %get3A_395, %get3A_399 : vector<16xf32>
          %mul3A_401 = arith.mulf %get3A_277, %get3A_311 : vector<16xf32>
          %add3A_402 = arith.addf %add3A_400, %mul3A_401 : vector<16xf32>
          %add3A_403 = arith.addf %add3A_402, %get3A_314 : vector<16xf32>
          %swap3A_404 = arith.index_cast %add3A_391 : i32 to index
          %swap3A_405 = arith.index_cast %multiple_of3A_308 : i32 to index
          %swap3A_406 = tpu.vector_load %arg17[%swap3A_404, %swap3A_405] {strides = array<i32>} : memref<16x768xf32, #tpu.memory_space<vmem>>, vector<1x16xf32>,
          %swap3A_407 = vector.shape_cast %swap3A_406 : vector<1x16xf32> to vector<16xf32>
          %swap3A_408 = vector.shape_cast %add3A_403 : vector<16xf32> to vector<1x16xf32>
          tpu.vector_store %arg17[%swap3A_404, %swap3A_405], %swap3A_408 {add = true, strides = array<i32>} : memref<16x768xf32, #tpu.memory_space<vmem>>, vector<1x16xf32>,
          %add3A_409 = arith.constant 5 : i32
          %add3A_410 = arith.addi %mul3A_248, %add3A_409 : i32
          %get3A_411 = arith.index_cast %add3A_410 : i32 to index
          %get3A_412 = arith.index_cast %multiple_of3A_308 : i32 to index
          %get3A_413 = tpu.vector_load %arg20[%get3A_411, %get3A_412] {strides = array<i32>} : memref<16x768xf32, #tpu.memory_space<vmem>>, vector<1x16xf32>,
          %get3A_414 = vector.shape_cast %get3A_413 : vector<1x16xf32> to vector<16xf32>
          %get3A_415 = arith.index_cast %add3A_410 : i32 to index
          %get3A_416 = arith.index_cast %multiple_of3A_308 : i32 to index
          %get3A_417 = tpu.vector_load %arg23[%get3A_415, %get3A_416] {strides = array<i32>} : memref<16x768xf32, #tpu.memory_space<vmem>>, vector<1x16xf32>,
          %get3A_418 = vector.shape_cast %get3A_417 : vector<1x16xf32> to vector<16xf32>
          %add3A_419 = arith.addf %get3A_414, %get3A_418 : vector<16xf32>
          %mul3A_420 = arith.mulf %get3A_283, %get3A_311 : vector<16xf32>
          %add3A_421 = arith.addf %add3A_419, %mul3A_420 : vector<16xf32>
          %add3A_422 = arith.addf %add3A_421, %get3A_314 : vector<16xf32>
          %swap3A_423 = arith.index_cast %add3A_410 : i32 to index
          %swap3A_424 = arith.index_cast %multiple_of3A_308 : i32 to index
          %swap3A_425 = tpu.vector_load %arg17[%swap3A_423, %swap3A_424] {strides = array<i32>} : memref<16x768xf32, #tpu.memory_space<vmem>>, vector<1x16xf32>,
          %swap3A_426 = vector.shape_cast %swap3A_425 : vector<1x16xf32> to vector<16xf32>
          %swap3A_427 = vector.shape_cast %add3A_422 : vector<16xf32> to vector<1x16xf32>
          tpu.vector_store %arg17[%swap3A_423, %swap3A_424], %swap3A_427 {add = true, strides = array<i32>} : memref<16x768xf32, #tpu.memory_space<vmem>>, vector<1x16xf32>,
          %add3A_428 = arith.constant 6 : i32
          %add3A_429 = arith.addi %mul3A_248, %add3A_428 : i32
          %get3A_430 = arith.index_cast %add3A_429 : i32 to index
          %get3A_431 = arith.index_cast %multiple_of3A_308 : i32 to index
          %get3A_432 = tpu.vector_load %arg20[%get3A_430, %get3A_431] {strides = array<i32>} : memref<16x768xf32, #tpu.memory_space<vmem>>, vector<1x16xf32>,
          %get3A_433 = vector.shape_cast %get3A_432 : vector<1x16xf32> to vector<16xf32>
          %get3A_434 = arith.index_cast %add3A_429 : i32 to index
          %get3A_435 = arith.index_cast %multiple_of3A_308 : i32 to index
          %get3A_436 = tpu.vector_load %arg23[%get3A_434, %get3A_435] {strides = array<i32>} : memref<16x768xf32, #tpu.memory_space<vmem>>, vector<1x16xf32>,
          %get3A_437 = vector.shape_cast %get3A_436 : vector<1x16xf32> to vector<16xf32>
          %add3A_438 = arith.addf %get3A_433, %get3A_437 : vector<16xf32>
          %mul3A_439 = arith.mulf %get3A_289, %get3A_311 : vector<16xf32>
          %add3A_440 = arith.addf %add3A_438, %mul3A_439 : vector<16xf32>
          %add3A_441 = arith.addf %add3A_440, %get3A_314 : vector<16xf32>
          %swap3A_442 = arith.index_cast %add3A_429 : i32 to index
          %swap3A_443 = arith.index_cast %multiple_of3A_308 : i32 to index
          %swap3A_444 = tpu.vector_load %arg17[%swap3A_442, %swap3A_443] {strides = array<i32>} : memref<16x768xf32, #tpu.memory_space<vmem>>, vector<1x16xf32>,
          %swap3A_445 = vector.shape_cast %swap3A_444 : vector<1x16xf32> to vector<16xf32>
          %swap3A_446 = vector.shape_cast %add3A_441 : vector<16xf32> to vector<1x16xf32>
          tpu.vector_store %arg17[%swap3A_442, %swap3A_443], %swap3A_446 {add = true, strides = array<i32>} : memref<16x768xf32, #tpu.memory_space<vmem>>, vector<1x16xf32>,
          %add3A_447 = arith.constant 7 : i32
          %add3A_448 = arith.addi %mul3A_248, %add3A_447 : i32
          %get3A_449 = arith.index_cast %add3A_448 : i32 to index
          %get3A_450 = arith.index_cast %multiple_of3A_308 : i32 to index
          %get3A_451 = tpu.vector_load %arg20[%get3A_449, %get3A_450] {strides = array<i32>} : memref<16x768xf32, #tpu.memory_space<vmem>>, vector<1x16xf32>,
          %get3A_452 = vector.shape_cast %get3A_451 : vector<1x16xf32> to vector<16xf32>
          %get3A_453 = arith.index_cast %add3A_448 : i32 to index
          %get3A_454 = arith.index_cast %multiple_of3A_308 : i32 to index
          %get3A_455 = tpu.vector_load %arg23[%get3A_453, %get3A_454] {strides = array<i32>} : memref<16x768xf32, #tpu.memory_space<vmem>>, vector<1x16xf32>,
          %get3A_456 = vector.shape_cast %get3A_455 : vector<1x16xf32> to vector<16xf32>
          %add3A_457 = arith.addf %get3A_452, %get3A_456 : vector<16xf32>
          %mul3A_458 = arith.mulf %get3A_295, %get3A_311 : vector<16xf32>
          %add3A_459 = arith.addf %add3A_457, %mul3A_458 : vector<16xf32>
          %add3A_460 = arith.addf %add3A_459, %get3A_314 : vector<16xf32>
          %swap3A_461 = arith.index_cast %add3A_448 : i32 to index
          %swap3A_462 = arith.index_cast %multiple_of3A_308 : i32 to index
          %swap3A_463 = tpu.vector_load %arg17[%swap3A_461, %swap3A_462] {strides = array<i32>} : memref<16x768xf32, #tpu.memory_space<vmem>>, vector<1x16xf32>,
          %swap3A_464 = vector.shape_cast %swap3A_463 : vector<1x16xf32> to vector<16xf32>
          %swap3A_465 = vector.shape_cast %add3A_460 : vector<16xf32> to vector<1x16xf32>
          tpu.vector_store %arg17[%swap3A_461, %swap3A_462], %swap3A_465 {add = true, strides = array<i32>} : memref<16x768xf32, #tpu.memory_space<vmem>>, vector<1x16xf32>,
          %scan3A_466 = arith.constant 0 : i32
          scf.yield %scan3A_466 : i32
        }
        %scan3A_302 = arith.constant 48 : i32
        %scan3A_303 = arith.constant 0 : i32
        scf.yield %scan3A_303 : i32
      }
      %scan3A_139 = arith.constant 2 : i32
      %mul3A_140 = arith.constant 16 : i32
      %mul3A_141 = arith.muli %add3A_104, %mul3A_140 : i32
      %add3A_142 = arith.addi %mul3A_2, %mul3A_141 : i32
      %dma_start3A_143 = arith.constant 0 : i32
      %dma_start3A_144 = tpu.memref_slice %arg11[%add3A_142, %dma_start3A_143] : memref<32768x768xf32, #tpu.memory_space<hbm>> -> memref<16x768xf32, #tpu.memory_space<hbm>>
      %dma_start3A_145 = arith.constant 0 : i32
      %dma_start3A_146 = tpu.memref_slice %arg11[%add3A_142, %dma_start3A_145] : memref<32768x768xf32, #tpu.memory_space<hbm>> -> memref<16x768xf32, #tpu.memory_space<hbm>>
      tpu.enqueue_dma source(%arg17 : memref<16x768xf32, #tpu.memory_space<vmem>>) target(%dma_start3A_146 : memref<16x768xf32, #tpu.memory_space<hbm>>) target_semaphore(%arg32 : memref<!tpu.dma_semaphore, #tpu.memory_space<semaphore_mem>>)
      %mul3A_147 = arith.constant 3 : i32
      %mul3A_148 = arith.muli %scan3A_100, %mul3A_147 : i32
      %add3A_149 = arith.constant 1 : i32
      %add3A_150 = arith.addi %mul3A_148, %add3A_149 : i32
      %dma_wait3A_151 = arith.constant 0 : i32
      %dma_wait3A_152 = arith.constant 0 : i32
      %dma_wait3A_153 = tpu.memref_slice %arg6[%dma_wait3A_151, %dma_wait3A_152] : memref<100000x768xf32, #tpu.memory_space<hbm>> -> memref<16x768xf32, #tpu.memory_space<hbm>>
      %dma_wait3A_154 = arith.constant 0 : i32
      %dma_wait3A_155 = arith.constant 0 : i32
      %dma_wait3A_156 = tpu.memref_slice %arg6[%dma_wait3A_154, %dma_wait3A_155] : memref<100000x768xf32, #tpu.memory_space<hbm>> -> memref<16x768xf32, #tpu.memory_space<hbm>>
      tpu.wait_dma2 semaphore(%arg30 : memref<!tpu.dma_semaphore, #tpu.memory_space<semaphore_mem>>) src(%dma_wait3A_156 : memref<16x768xf32, #tpu.memory_space<hbm>>) dst(%arg18 : memref<16x768xf32, #tpu.memory_space<vmem>>)
      %dma_wait3A_157 = arith.constant 0 : i32
      %dma_wait3A_158 = arith.constant 0 : i32
      %dma_wait3A_159 = tpu.memref_slice %arg7[%dma_wait3A_157, %dma_wait3A_158] : memref<2048x768xf32, #tpu.memory_space<hbm>> -> memref<16x768xf32, #tpu.memory_space<hbm>>
      %dma_wait3A_160 = arith.constant 0 : i32
      %dma_wait3A_161 = arith.constant 0 : i32
      %dma_wait3A_162 = tpu.memref_slice %arg7[%dma_wait3A_160, %dma_wait3A_161] : memref<2048x768xf32, #tpu.memory_space<hbm>> -> memref<16x768xf32, #tpu.memory_space<hbm>>
      tpu.wait_dma2 semaphore(%arg30 : memref<!tpu.dma_semaphore, #tpu.memory_space<semaphore_mem>>) src(%dma_wait3A_162 : memref<16x768xf32, #tpu.memory_space<hbm>>) dst(%arg21 : memref<16x768xf32, #tpu.memory_space<vmem>>)
      %dma_wait3A_163 = arith.constant 0 : i32
      %dma_wait3A_164 = arith.constant 0 : i32
      %dma_wait3A_165 = tpu.memref_slice %arg8[%dma_wait3A_163, %dma_wait3A_164] : memref<8192x768xf32, #tpu.memory_space<hbm>> -> memref<16x768xf32, #tpu.memory_space<hbm>>
      %dma_wait3A_166 = arith.constant 0 : i32
      %dma_wait3A_167 = arith.constant 0 : i32
      %dma_wait3A_168 = tpu.memref_slice %arg8[%dma_wait3A_166, %dma_wait3A_167] : memref<8192x768xf32, #tpu.memory_space<hbm>> -> memref<16x768xf32, #tpu.memory_space<hbm>>
      tpu.wait_dma2 semaphore(%arg30 : memref<!tpu.dma_semaphore, #tpu.memory_space<semaphore_mem>>) src(%dma_wait3A_168 : memref<16x768xf32, #tpu.memory_space<hbm>>) dst(%arg24 : memref<16x768xf32, #tpu.memory_space<vmem>>)
      %dma_wait3A_169 = arith.constant 0 : i32
      %dma_wait3A_170 = arith.constant 0 : i32
      %dma_wait3A_171 = tpu.memref_slice %arg5[%dma_wait3A_169, %dma_wait3A_170] : memref<32768x16xf32, #tpu.memory_space<hbm>> -> memref<16x16xf32, #tpu.memory_space<hbm>>
      %dma_wait3A_172 = arith.constant 0 : i32
      %dma_wait3A_173 = arith.constant 0 : i32
      %dma_wait3A_174 = tpu.memref_slice %arg5[%dma_wait3A_172, %dma_wait3A_173] : memref<32768x16xf32, #tpu.memory_space<hbm>> -> memref<16x16xf32, #tpu.memory_space<hbm>>
      tpu.wait_dma2 semaphore(%arg30 : memref<!tpu.dma_semaphore, #tpu.memory_space<semaphore_mem>>) src(%dma_wait3A_174 : memref<16x16xf32, #tpu.memory_space<hbm>>) dst(%arg27 : memref<16x16xf32, #tpu.memory_space<vmem>>)
      %add3A_175 = arith.constant 2 : i32
      %add3A_176 = arith.addi %add3A_150, %add3A_175 : i32
      %lt3A_177 = arith.constant 64 : i32
      %lt3A_178 = arith.cmpi slt, %add3A_176, %lt3A_177 : i32
      %convert_element_type3A_179 = arith.extui %lt3A_178 : i1 to i32
      %cond3A_180 = arith.constant 0 : i32
      %cond3A_181 = arith.cmpi ne, %convert_element_type3A_179, %cond3A_180 : i32
      scf.if %cond3A_181 {
        %ge3A = arith.constant 1 : i32
        %ge3A_245 = arith.cmpi sge, %add3A_150, %ge3A : i32
        %convert_element_type3A_246 = arith.extui %ge3A_245 : i1 to i32
        %cond3A_247 = arith.constant 0 : i32
        %cond3A_248 = arith.cmpi ne, %convert_element_type3A_246, %cond3A_247 : i32
        scf.if %cond3A_248 {
          %dma_wait3A_273 = arith.constant 0 : i32
          %dma_wait3A_274 = arith.constant 0 : i32
          %dma_wait3A_275 = tpu.memref_slice %arg6[%dma_wait3A_273, %dma_wait3A_274] : memref<100000x768xf32, #tpu.memory_space<hbm>> -> memref<16x768xf32, #tpu.memory_space<hbm>>
          %dma_wait3A_276 = arith.constant 0 : i32
          %dma_wait3A_277 = arith.constant 0 : i32
          %dma_wait3A_278 = tpu.memref_slice %arg6[%dma_wait3A_276, %dma_wait3A_277] : memref<100000x768xf32, #tpu.memory_space<hbm>> -> memref<16x768xf32, #tpu.memory_space<hbm>>
          tpu.wait_dma2 semaphore(%arg32 : memref<!tpu.dma_semaphore, #tpu.memory_space<semaphore_mem>>) src(%dma_wait3A_278 : memref<16x768xf32, #tpu.memory_space<hbm>>) dst(%arg17 : memref<16x768xf32, #tpu.memory_space<vmem>>)
        } else {
        }
        %add3A_249 = arith.constant 2 : i32
        %add3A_250 = arith.addi %add3A_150, %add3A_249 : i32
        %mul3A_251 = arith.constant 16 : i32
        %mul3A_252 = arith.muli %add3A_250, %mul3A_251 : i32
        %multiple_of3A_253 = tpu.assume_multiple %mul3A_252, 16 : i32
        %mul3A_254 = arith.constant 16 : i32
        %mul3A_255 = arith.muli %add3A_250, %mul3A_254 : i32
        %add3A_256 = arith.addi %mul3A_2, %mul3A_255 : i32
        %dma_start3A_257 = tpu.memref_slice %arg12[%multiple_of3A_253] : memref<1024xi32, #tpu.memory_space<vmem>> -> memref<16xi32, #tpu.memory_space<vmem>>
        %dma_start3A_258 = arith.constant 0 : i32
        %dma_start3A_259 = arith.constant 0 : i32
        %dma_start3A_260 = tpu.memref_slice %arg6[%dma_start3A_258, %dma_start3A_259] : memref<100000x768xf32, #tpu.memory_space<hbm>> -> memref<100000x768xf32, #tpu.memory_space<hbm>>
        tpu.enqueue_indirect_dma source(%dma_start3A_260 : memref<100000x768xf32, #tpu.memory_space<hbm>>) target(%arg17 : memref<16x768xf32, #tpu.memory_space<vmem>>) offsets(%dma_start3A_257 : memref<16xi32, #tpu.memory_space<vmem>>) semaphore(%arg29 : memref<!tpu.dma_semaphore, #tpu.memory_space<semaphore_mem>>)
        %dma_start3A_261 = tpu.memref_slice %arg13[%multiple_of3A_253] : memref<1024xi32, #tpu.memory_space<vmem>> -> memref<16xi32, #tpu.memory_space<vmem>>
        %dma_start3A_262 = arith.constant 0 : i32
        %dma_start3A_263 = arith.constant 0 : i32
        %dma_start3A_264 = tpu.memref_slice %arg7[%dma_start3A_262, %dma_start3A_263] : memref<2048x768xf32, #tpu.memory_space<hbm>> -> memref<2048x768xf32, #tpu.memory_space<hbm>>
        tpu.enqueue_indirect_dma source(%dma_start3A_264 : memref<2048x768xf32, #tpu.memory_space<hbm>>) target(%arg20 : memref<16x768xf32, #tpu.memory_space<vmem>>) offsets(%dma_start3A_261 : memref<16xi32, #tpu.memory_space<vmem>>) semaphore(%arg29 : memref<!tpu.dma_semaphore, #tpu.memory_space<semaphore_mem>>)
        %dma_start3A_265 = tpu.memref_slice %arg14[%multiple_of3A_253] : memref<1024xi32, #tpu.memory_space<vmem>> -> memref<16xi32, #tpu.memory_space<vmem>>
        %dma_start3A_266 = arith.constant 0 : i32
        %dma_start3A_267 = arith.constant 0 : i32
        %dma_start3A_268 = tpu.memref_slice %arg8[%dma_start3A_266, %dma_start3A_267] : memref<8192x768xf32, #tpu.memory_space<hbm>> -> memref<8192x768xf32, #tpu.memory_space<hbm>>
        tpu.enqueue_indirect_dma source(%dma_start3A_268 : memref<8192x768xf32, #tpu.memory_space<hbm>>) target(%arg23 : memref<16x768xf32, #tpu.memory_space<vmem>>) offsets(%dma_start3A_265 : memref<16xi32, #tpu.memory_space<vmem>>) semaphore(%arg29 : memref<!tpu.dma_semaphore, #tpu.memory_space<semaphore_mem>>)
        %dma_start3A_269 = arith.constant 0 : i32
        %dma_start3A_270 = tpu.memref_slice %arg5[%add3A_256, %dma_start3A_269] : memref<32768x16xf32, #tpu.memory_space<hbm>> -> memref<16x16xf32, #tpu.memory_space<hbm>>
        %dma_start3A_271 = arith.constant 0 : i32
        %dma_start3A_272 = tpu.memref_slice %arg5[%add3A_256, %dma_start3A_271] : memref<32768x16xf32, #tpu.memory_space<hbm>> -> memref<16x16xf32, #tpu.memory_space<hbm>>
        tpu.enqueue_dma source(%dma_start3A_272 : memref<16x16xf32, #tpu.memory_space<hbm>>) target(%arg26 : memref<16x16xf32, #tpu.memory_space<vmem>>) target_semaphore(%arg29 : memref<!tpu.dma_semaphore, #tpu.memory_space<semaphore_mem>>)
      } else {
      }
      %scan3A_182 = arith.constant 0 : i32
      %scan3A_183 = arith.constant 0 : i32
      %scan3A_184 = arith.constant 2 : i32
      %scan3A_185 = arith.addi %scan3A_183, %scan3A_184 : i32
      %scan3A_186 = arith.constant 1 : i32
      %scan3A_187 = scf.for %scan3A_245 = %scan3A_183 to %scan3A_185 step %scan3A_186 iter_args(%scan3A_246 = %scan3A_182) -> (i32)  : i32 {
        %mul3A_247 = arith.constant 8 : i32
        %mul3A_248 = arith.muli %scan3A_245, %mul3A_247 : i32
        %add3A_249 = arith.constant 0 : i32
        %add3A_250 = arith.addi %mul3A_248, %add3A_249 : i32
        %get3A = arith.index_cast %add3A_250 : i32 to index
        %get3A_251 = arith.constant 0 : index
        %get3A_252 = tpu.vector_load %arg27[%get3A, %get3A_251] {strides = array<i32>} : memref<16x16xf32, #tpu.memory_space<vmem>>, vector<1x16xf32>,
        %get3A_253 = vector.shape_cast %get3A_252 : vector<1x16xf32> to vector<16xf32>
        %add3A_254 = arith.constant 1 : i32
        %add3A_255 = arith.addi %mul3A_248, %add3A_254 : i32
        %get3A_256 = arith.index_cast %add3A_255 : i32 to index
        %get3A_257 = arith.constant 0 : index
        %get3A_258 = tpu.vector_load %arg27[%get3A_256, %get3A_257] {strides = array<i32>} : memref<16x16xf32, #tpu.memory_space<vmem>>, vector<1x16xf32>,
        %get3A_259 = vector.shape_cast %get3A_258 : vector<1x16xf32> to vector<16xf32>
        %add3A_260 = arith.constant 2 : i32
        %add3A_261 = arith.addi %mul3A_248, %add3A_260 : i32
        %get3A_262 = arith.index_cast %add3A_261 : i32 to index
        %get3A_263 = arith.constant 0 : index
        %get3A_264 = tpu.vector_load %arg27[%get3A_262, %get3A_263] {strides = array<i32>} : memref<16x16xf32, #tpu.memory_space<vmem>>, vector<1x16xf32>,
        %get3A_265 = vector.shape_cast %get3A_264 : vector<1x16xf32> to vector<16xf32>
        %add3A_266 = arith.constant 3 : i32
        %add3A_267 = arith.addi %mul3A_248, %add3A_266 : i32
        %get3A_268 = arith.index_cast %add3A_267 : i32 to index
        %get3A_269 = arith.constant 0 : index
        %get3A_270 = tpu.vector_load %arg27[%get3A_268, %get3A_269] {strides = array<i32>} : memref<16x16xf32, #tpu.memory_space<vmem>>, vector<1x16xf32>,
        %get3A_271 = vector.shape_cast %get3A_270 : vector<1x16xf32> to vector<16xf32>
        %add3A_272 = arith.constant 4 : i32
        %add3A_273 = arith.addi %mul3A_248, %add3A_272 : i32
        %get3A_274 = arith.index_cast %add3A_273 : i32 to index
        %get3A_275 = arith.constant 0 : index
        %get3A_276 = tpu.vector_load %arg27[%get3A_274, %get3A_275] {strides = array<i32>} : memref<16x16xf32, #tpu.memory_space<vmem>>, vector<1x16xf32>,
        %get3A_277 = vector.shape_cast %get3A_276 : vector<1x16xf32> to vector<16xf32>
        %add3A_278 = arith.constant 5 : i32
        %add3A_279 = arith.addi %mul3A_248, %add3A_278 : i32
        %get3A_280 = arith.index_cast %add3A_279 : i32 to index
        %get3A_281 = arith.constant 0 : index
        %get3A_282 = tpu.vector_load %arg27[%get3A_280, %get3A_281] {strides = array<i32>} : memref<16x16xf32, #tpu.memory_space<vmem>>, vector<1x16xf32>,
        %get3A_283 = vector.shape_cast %get3A_282 : vector<1x16xf32> to vector<16xf32>
        %add3A_284 = arith.constant 6 : i32
        %add3A_285 = arith.addi %mul3A_248, %add3A_284 : i32
        %get3A_286 = arith.index_cast %add3A_285 : i32 to index
        %get3A_287 = arith.constant 0 : index
        %get3A_288 = tpu.vector_load %arg27[%get3A_286, %get3A_287] {strides = array<i32>} : memref<16x16xf32, #tpu.memory_space<vmem>>, vector<1x16xf32>,
        %get3A_289 = vector.shape_cast %get3A_288 : vector<1x16xf32> to vector<16xf32>
        %add3A_290 = arith.constant 7 : i32
        %add3A_291 = arith.addi %mul3A_248, %add3A_290 : i32
        %get3A_292 = arith.index_cast %add3A_291 : i32 to index
        %get3A_293 = arith.constant 0 : index
        %get3A_294 = tpu.vector_load %arg27[%get3A_292, %get3A_293] {strides = array<i32>} : memref<16x16xf32, #tpu.memory_space<vmem>>, vector<1x16xf32>,
        %get3A_295 = vector.shape_cast %get3A_294 : vector<1x16xf32> to vector<16xf32>
        %scan3A_296 = arith.constant 0 : i32
        %scan3A_297 = arith.constant 0 : i32
        %scan3A_298 = arith.constant 48 : i32
        %scan3A_299 = arith.addi %scan3A_297, %scan3A_298 : i32
        %scan3A_300 = arith.constant 1 : i32
        %scan3A_301 = scf.for %scan3A_304 = %scan3A_297 to %scan3A_299 step %scan3A_300 iter_args(%scan3A_305 = %scan3A_296) -> (i32)  : i32 {
          %mul3A_306 = arith.constant 16 : i32
          %mul3A_307 = arith.muli %scan3A_304, %mul3A_306 : i32
          %multiple_of3A_308 = tpu.assume_multiple %mul3A_307, 16 : i32
          %get3A_309 = arith.index_cast %multiple_of3A_308 : i32 to index
          %get3A_310 = tpu.vector_load %arg15[%get3A_309] {strides = array<i32>} : memref<768xf32, #tpu.memory_space<vmem>>, vector<16xf32>,
          %get3A_311 = vector.shape_cast %get3A_310 : vector<16xf32> to vector<16xf32>
          %get3A_312 = arith.index_cast %multiple_of3A_308 : i32 to index
          %get3A_313 = tpu.vector_load %arg16[%get3A_312] {strides = array<i32>} : memref<768xf32, #tpu.memory_space<vmem>>, vector<16xf32>,
          %get3A_314 = vector.shape_cast %get3A_313 : vector<16xf32> to vector<16xf32>
          %add3A_315 = arith.constant 0 : i32
          %add3A_316 = arith.addi %mul3A_248, %add3A_315 : i32
          %get3A_317 = arith.index_cast %add3A_316 : i32 to index
          %get3A_318 = arith.index_cast %multiple_of3A_308 : i32 to index
          %get3A_319 = tpu.vector_load %arg21[%get3A_317, %get3A_318] {strides = array<i32>} : memref<16x768xf32, #tpu.memory_space<vmem>>, vector<1x16xf32>,
          %get3A_320 = vector.shape_cast %get3A_319 : vector<1x16xf32> to vector<16xf32>
          %get3A_321 = arith.index_cast %add3A_316 : i32 to index
          %get3A_322 = arith.index_cast %multiple_of3A_308 : i32 to index
          %get3A_323 = tpu.vector_load %arg24[%get3A_321, %get3A_322] {strides = array<i32>} : memref<16x768xf32, #tpu.memory_space<vmem>>, vector<1x16xf32>,
          %get3A_324 = vector.shape_cast %get3A_323 : vector<1x16xf32> to vector<16xf32>
          %add3A_325 = arith.addf %get3A_320, %get3A_324 : vector<16xf32>
          %mul3A_326 = arith.mulf %get3A_253, %get3A_311 : vector<16xf32>
          %add3A_327 = arith.addf %add3A_325, %mul3A_326 : vector<16xf32>
          %add3A_328 = arith.addf %add3A_327, %get3A_314 : vector<16xf32>
          %swap3A = arith.index_cast %add3A_316 : i32 to index
          %swap3A_329 = arith.index_cast %multiple_of3A_308 : i32 to index
          %swap3A_330 = tpu.vector_load %arg18[%swap3A, %swap3A_329] {strides = array<i32>} : memref<16x768xf32, #tpu.memory_space<vmem>>, vector<1x16xf32>,
          %swap3A_331 = vector.shape_cast %swap3A_330 : vector<1x16xf32> to vector<16xf32>
          %swap3A_332 = vector.shape_cast %add3A_328 : vector<16xf32> to vector<1x16xf32>
          tpu.vector_store %arg18[%swap3A, %swap3A_329], %swap3A_332 {add = true, strides = array<i32>} : memref<16x768xf32, #tpu.memory_space<vmem>>, vector<1x16xf32>,
          %add3A_333 = arith.constant 1 : i32
          %add3A_334 = arith.addi %mul3A_248, %add3A_333 : i32
          %get3A_335 = arith.index_cast %add3A_334 : i32 to index
          %get3A_336 = arith.index_cast %multiple_of3A_308 : i32 to index
          %get3A_337 = tpu.vector_load %arg21[%get3A_335, %get3A_336] {strides = array<i32>} : memref<16x768xf32, #tpu.memory_space<vmem>>, vector<1x16xf32>,
          %get3A_338 = vector.shape_cast %get3A_337 : vector<1x16xf32> to vector<16xf32>
          %get3A_339 = arith.index_cast %add3A_334 : i32 to index
          %get3A_340 = arith.index_cast %multiple_of3A_308 : i32 to index
          %get3A_341 = tpu.vector_load %arg24[%get3A_339, %get3A_340] {strides = array<i32>} : memref<16x768xf32, #tpu.memory_space<vmem>>, vector<1x16xf32>,
          %get3A_342 = vector.shape_cast %get3A_341 : vector<1x16xf32> to vector<16xf32>
          %add3A_343 = arith.addf %get3A_338, %get3A_342 : vector<16xf32>
          %mul3A_344 = arith.mulf %get3A_259, %get3A_311 : vector<16xf32>
          %add3A_345 = arith.addf %add3A_343, %mul3A_344 : vector<16xf32>
          %add3A_346 = arith.addf %add3A_345, %get3A_314 : vector<16xf32>
          %swap3A_347 = arith.index_cast %add3A_334 : i32 to index
          %swap3A_348 = arith.index_cast %multiple_of3A_308 : i32 to index
          %swap3A_349 = tpu.vector_load %arg18[%swap3A_347, %swap3A_348] {strides = array<i32>} : memref<16x768xf32, #tpu.memory_space<vmem>>, vector<1x16xf32>,
          %swap3A_350 = vector.shape_cast %swap3A_349 : vector<1x16xf32> to vector<16xf32>
          %swap3A_351 = vector.shape_cast %add3A_346 : vector<16xf32> to vector<1x16xf32>
          tpu.vector_store %arg18[%swap3A_347, %swap3A_348], %swap3A_351 {add = true, strides = array<i32>} : memref<16x768xf32, #tpu.memory_space<vmem>>, vector<1x16xf32>,
          %add3A_352 = arith.constant 2 : i32
          %add3A_353 = arith.addi %mul3A_248, %add3A_352 : i32
          %get3A_354 = arith.index_cast %add3A_353 : i32 to index
          %get3A_355 = arith.index_cast %multiple_of3A_308 : i32 to index
          %get3A_356 = tpu.vector_load %arg21[%get3A_354, %get3A_355] {strides = array<i32>} : memref<16x768xf32, #tpu.memory_space<vmem>>, vector<1x16xf32>,
          %get3A_357 = vector.shape_cast %get3A_356 : vector<1x16xf32> to vector<16xf32>
          %get3A_358 = arith.index_cast %add3A_353 : i32 to index
          %get3A_359 = arith.index_cast %multiple_of3A_308 : i32 to index
          %get3A_360 = tpu.vector_load %arg24[%get3A_358, %get3A_359] {strides = array<i32>} : memref<16x768xf32, #tpu.memory_space<vmem>>, vector<1x16xf32>,
          %get3A_361 = vector.shape_cast %get3A_360 : vector<1x16xf32> to vector<16xf32>
          %add3A_362 = arith.addf %get3A_357, %get3A_361 : vector<16xf32>
          %mul3A_363 = arith.mulf %get3A_265, %get3A_311 : vector<16xf32>
          %add3A_364 = arith.addf %add3A_362, %mul3A_363 : vector<16xf32>
          %add3A_365 = arith.addf %add3A_364, %get3A_314 : vector<16xf32>
          %swap3A_366 = arith.index_cast %add3A_353 : i32 to index
          %swap3A_367 = arith.index_cast %multiple_of3A_308 : i32 to index
          %swap3A_368 = tpu.vector_load %arg18[%swap3A_366, %swap3A_367] {strides = array<i32>} : memref<16x768xf32, #tpu.memory_space<vmem>>, vector<1x16xf32>,
          %swap3A_369 = vector.shape_cast %swap3A_368 : vector<1x16xf32> to vector<16xf32>
          %swap3A_370 = vector.shape_cast %add3A_365 : vector<16xf32> to vector<1x16xf32>
          tpu.vector_store %arg18[%swap3A_366, %swap3A_367], %swap3A_370 {add = true, strides = array<i32>} : memref<16x768xf32, #tpu.memory_space<vmem>>, vector<1x16xf32>,
          %add3A_371 = arith.constant 3 : i32
          %add3A_372 = arith.addi %mul3A_248, %add3A_371 : i32
          %get3A_373 = arith.index_cast %add3A_372 : i32 to index
          %get3A_374 = arith.index_cast %multiple_of3A_308 : i32 to index
          %get3A_375 = tpu.vector_load %arg21[%get3A_373, %get3A_374] {strides = array<i32>} : memref<16x768xf32, #tpu.memory_space<vmem>>, vector<1x16xf32>,
          %get3A_376 = vector.shape_cast %get3A_375 : vector<1x16xf32> to vector<16xf32>
          %get3A_377 = arith.index_cast %add3A_372 : i32 to index
          %get3A_378 = arith.index_cast %multiple_of3A_308 : i32 to index
          %get3A_379 = tpu.vector_load %arg24[%get3A_377, %get3A_378] {strides = array<i32>} : memref<16x768xf32, #tpu.memory_space<vmem>>, vector<1x16xf32>,
          %get3A_380 = vector.shape_cast %get3A_379 : vector<1x16xf32> to vector<16xf32>
          %add3A_381 = arith.addf %get3A_376, %get3A_380 : vector<16xf32>
          %mul3A_382 = arith.mulf %get3A_271, %get3A_311 : vector<16xf32>
          %add3A_383 = arith.addf %add3A_381, %mul3A_382 : vector<16xf32>
          %add3A_384 = arith.addf %add3A_383, %get3A_314 : vector<16xf32>
          %swap3A_385 = arith.index_cast %add3A_372 : i32 to index
          %swap3A_386 = arith.index_cast %multiple_of3A_308 : i32 to index
          %swap3A_387 = tpu.vector_load %arg18[%swap3A_385, %swap3A_386] {strides = array<i32>} : memref<16x768xf32, #tpu.memory_space<vmem>>, vector<1x16xf32>,
          %swap3A_388 = vector.shape_cast %swap3A_387 : vector<1x16xf32> to vector<16xf32>
          %swap3A_389 = vector.shape_cast %add3A_384 : vector<16xf32> to vector<1x16xf32>
          tpu.vector_store %arg18[%swap3A_385, %swap3A_386], %swap3A_389 {add = true, strides = array<i32>} : memref<16x768xf32, #tpu.memory_space<vmem>>, vector<1x16xf32>,
          %add3A_390 = arith.constant 4 : i32
          %add3A_391 = arith.addi %mul3A_248, %add3A_390 : i32
          %get3A_392 = arith.index_cast %add3A_391 : i32 to index
          %get3A_393 = arith.index_cast %multiple_of3A_308 : i32 to index
          %get3A_394 = tpu.vector_load %arg21[%get3A_392, %get3A_393] {strides = array<i32>} : memref<16x768xf32, #tpu.memory_space<vmem>>, vector<1x16xf32>,
          %get3A_395 = vector.shape_cast %get3A_394 : vector<1x16xf32> to vector<16xf32>
          %get3A_396 = arith.index_cast %add3A_391 : i32 to index
          %get3A_397 = arith.index_cast %multiple_of3A_308 : i32 to index
          %get3A_398 = tpu.vector_load %arg24[%get3A_396, %get3A_397] {strides = array<i32>} : memref<16x768xf32, #tpu.memory_space<vmem>>, vector<1x16xf32>,
          %get3A_399 = vector.shape_cast %get3A_398 : vector<1x16xf32> to vector<16xf32>
          %add3A_400 = arith.addf %get3A_395, %get3A_399 : vector<16xf32>
          %mul3A_401 = arith.mulf %get3A_277, %get3A_311 : vector<16xf32>
          %add3A_402 = arith.addf %add3A_400, %mul3A_401 : vector<16xf32>
          %add3A_403 = arith.addf %add3A_402, %get3A_314 : vector<16xf32>
          %swap3A_404 = arith.index_cast %add3A_391 : i32 to index
          %swap3A_405 = arith.index_cast %multiple_of3A_308 : i32 to index
          %swap3A_406 = tpu.vector_load %arg18[%swap3A_404, %swap3A_405] {strides = array<i32>} : memref<16x768xf32, #tpu.memory_space<vmem>>, vector<1x16xf32>,
          %swap3A_407 = vector.shape_cast %swap3A_406 : vector<1x16xf32> to vector<16xf32>
          %swap3A_408 = vector.shape_cast %add3A_403 : vector<16xf32> to vector<1x16xf32>
          tpu.vector_store %arg18[%swap3A_404, %swap3A_405], %swap3A_408 {add = true, strides = array<i32>} : memref<16x768xf32, #tpu.memory_space<vmem>>, vector<1x16xf32>,
          %add3A_409 = arith.constant 5 : i32
          %add3A_410 = arith.addi %mul3A_248, %add3A_409 : i32
          %get3A_411 = arith.index_cast %add3A_410 : i32 to index
          %get3A_412 = arith.index_cast %multiple_of3A_308 : i32 to index
          %get3A_413 = tpu.vector_load %arg21[%get3A_411, %get3A_412] {strides = array<i32>} : memref<16x768xf32, #tpu.memory_space<vmem>>, vector<1x16xf32>,
          %get3A_414 = vector.shape_cast %get3A_413 : vector<1x16xf32> to vector<16xf32>
          %get3A_415 = arith.index_cast %add3A_410 : i32 to index
          %get3A_416 = arith.index_cast %multiple_of3A_308 : i32 to index
          %get3A_417 = tpu.vector_load %arg24[%get3A_415, %get3A_416] {strides = array<i32>} : memref<16x768xf32, #tpu.memory_space<vmem>>, vector<1x16xf32>,
          %get3A_418 = vector.shape_cast %get3A_417 : vector<1x16xf32> to vector<16xf32>
          %add3A_419 = arith.addf %get3A_414, %get3A_418 : vector<16xf32>
          %mul3A_420 = arith.mulf %get3A_283, %get3A_311 : vector<16xf32>
          %add3A_421 = arith.addf %add3A_419, %mul3A_420 : vector<16xf32>
          %add3A_422 = arith.addf %add3A_421, %get3A_314 : vector<16xf32>
          %swap3A_423 = arith.index_cast %add3A_410 : i32 to index
          %swap3A_424 = arith.index_cast %multiple_of3A_308 : i32 to index
          %swap3A_425 = tpu.vector_load %arg18[%swap3A_423, %swap3A_424] {strides = array<i32>} : memref<16x768xf32, #tpu.memory_space<vmem>>, vector<1x16xf32>,
          %swap3A_426 = vector.shape_cast %swap3A_425 : vector<1x16xf32> to vector<16xf32>
          %swap3A_427 = vector.shape_cast %add3A_422 : vector<16xf32> to vector<1x16xf32>
          tpu.vector_store %arg18[%swap3A_423, %swap3A_424], %swap3A_427 {add = true, strides = array<i32>} : memref<16x768xf32, #tpu.memory_space<vmem>>, vector<1x16xf32>,
          %add3A_428 = arith.constant 6 : i32
          %add3A_429 = arith.addi %mul3A_248, %add3A_428 : i32
          %get3A_430 = arith.index_cast %add3A_429 : i32 to index
          %get3A_431 = arith.index_cast %multiple_of3A_308 : i32 to index
          %get3A_432 = tpu.vector_load %arg21[%get3A_430, %get3A_431] {strides = array<i32>} : memref<16x768xf32, #tpu.memory_space<vmem>>, vector<1x16xf32>,
          %get3A_433 = vector.shape_cast %get3A_432 : vector<1x16xf32> to vector<16xf32>
          %get3A_434 = arith.index_cast %add3A_429 : i32 to index
          %get3A_435 = arith.index_cast %multiple_of3A_308 : i32 to index
          %get3A_436 = tpu.vector_load %arg24[%get3A_434, %get3A_435] {strides = array<i32>} : memref<16x768xf32, #tpu.memory_space<vmem>>, vector<1x16xf32>,
          %get3A_437 = vector.shape_cast %get3A_436 : vector<1x16xf32> to vector<16xf32>
          %add3A_438 = arith.addf %get3A_433, %get3A_437 : vector<16xf32>
          %mul3A_439 = arith.mulf %get3A_289, %get3A_311 : vector<16xf32>
          %add3A_440 = arith.addf %add3A_438, %mul3A_439 : vector<16xf32>
          %add3A_441 = arith.addf %add3A_440, %get3A_314 : vector<16xf32>
          %swap3A_442 = arith.index_cast %add3A_429 : i32 to index
          %swap3A_443 = arith.index_cast %multiple_of3A_308 : i32 to index
          %swap3A_444 = tpu.vector_load %arg18[%swap3A_442, %swap3A_443] {strides = array<i32>} : memref<16x768xf32, #tpu.memory_space<vmem>>, vector<1x16xf32>,
          %swap3A_445 = vector.shape_cast %swap3A_444 : vector<1x16xf32> to vector<16xf32>
          %swap3A_446 = vector.shape_cast %add3A_441 : vector<16xf32> to vector<1x16xf32>
          tpu.vector_store %arg18[%swap3A_442, %swap3A_443], %swap3A_446 {add = true, strides = array<i32>} : memref<16x768xf32, #tpu.memory_space<vmem>>, vector<1x16xf32>,
          %add3A_447 = arith.constant 7 : i32
          %add3A_448 = arith.addi %mul3A_248, %add3A_447 : i32
          %get3A_449 = arith.index_cast %add3A_448 : i32 to index
          %get3A_450 = arith.index_cast %multiple_of3A_308 : i32 to index
          %get3A_451 = tpu.vector_load %arg21[%get3A_449, %get3A_450] {strides = array<i32>} : memref<16x768xf32, #tpu.memory_space<vmem>>, vector<1x16xf32>,
          %get3A_452 = vector.shape_cast %get3A_451 : vector<1x16xf32> to vector<16xf32>
          %get3A_453 = arith.index_cast %add3A_448 : i32 to index
          %get3A_454 = arith.index_cast %multiple_of3A_308 : i32 to index
          %get3A_455 = tpu.vector_load %arg24[%get3A_453, %get3A_454] {strides = array<i32>} : memref<16x768xf32, #tpu.memory_space<vmem>>, vector<1x16xf32>,
          %get3A_456 = vector.shape_cast %get3A_455 : vector<1x16xf32> to vector<16xf32>
          %add3A_457 = arith.addf %get3A_452, %get3A_456 : vector<16xf32>
          %mul3A_458 = arith.mulf %get3A_295, %get3A_311 : vector<16xf32>
          %add3A_459 = arith.addf %add3A_457, %mul3A_458 : vector<16xf32>
          %add3A_460 = arith.addf %add3A_459, %get3A_314 : vector<16xf32>
          %swap3A_461 = arith.index_cast %add3A_448 : i32 to index
          %swap3A_462 = arith.index_cast %multiple_of3A_308 : i32 to index
          %swap3A_463 = tpu.vector_load %arg18[%swap3A_461, %swap3A_462] {strides = array<i32>} : memref<16x768xf32, #tpu.memory_space<vmem>>, vector<1x16xf32>,
          %swap3A_464 = vector.shape_cast %swap3A_463 : vector<1x16xf32> to vector<16xf32>
          %swap3A_465 = vector.shape_cast %add3A_460 : vector<16xf32> to vector<1x16xf32>
          tpu.vector_store %arg18[%swap3A_461, %swap3A_462], %swap3A_465 {add = true, strides = array<i32>} : memref<16x768xf32, #tpu.memory_space<vmem>>, vector<1x16xf32>,
          %scan3A_466 = arith.constant 0 : i32
          scf.yield %scan3A_466 : i32
        }
        %scan3A_302 = arith.constant 48 : i32
        %scan3A_303 = arith.constant 0 : i32
        scf.yield %scan3A_303 : i32
      }
      %scan3A_188 = arith.constant 2 : i32
      %mul3A_189 = arith.constant 16 : i32
      %mul3A_190 = arith.muli %add3A_150, %mul3A_189 : i32
      %add3A_191 = arith.addi %mul3A_2, %mul3A_190 : i32
      %dma_start3A_192 = arith.constant 0 : i32
      %dma_start3A_193 = tpu.memref_slice %arg11[%add3A_191, %dma_start3A_192] : memref<32768x768xf32, #tpu.memory_space<hbm>> -> memref<16x768xf32, #tpu.memory_space<hbm>>
      %dma_start3A_194 = arith.constant 0 : i32
      %dma_start3A_195 = tpu.memref_slice %arg11[%add3A_191, %dma_start3A_194] : memref<32768x768xf32, #tpu.memory_space<hbm>> -> memref<16x768xf32, #tpu.memory_space<hbm>>
      tpu.enqueue_dma source(%arg18 : memref<16x768xf32, #tpu.memory_space<vmem>>) target(%dma_start3A_195 : memref<16x768xf32, #tpu.memory_space<hbm>>) target_semaphore(%arg33 : memref<!tpu.dma_semaphore, #tpu.memory_space<semaphore_mem>>)
      %mul3A_196 = arith.constant 3 : i32
      %mul3A_197 = arith.muli %scan3A_100, %mul3A_196 : i32
      %add3A_198 = arith.constant 2 : i32
      %add3A_199 = arith.addi %mul3A_197, %add3A_198 : i32
      %dma_wait3A_200 = arith.constant 0 : i32
      %dma_wait3A_201 = arith.constant 0 : i32
      %dma_wait3A_202 = tpu.memref_slice %arg6[%dma_wait3A_200, %dma_wait3A_201] : memref<100000x768xf32, #tpu.memory_space<hbm>> -> memref<16x768xf32, #tpu.memory_space<hbm>>
      %dma_wait3A_203 = arith.constant 0 : i32
      %dma_wait3A_204 = arith.constant 0 : i32
      %dma_wait3A_205 = tpu.memref_slice %arg6[%dma_wait3A_203, %dma_wait3A_204] : memref<100000x768xf32, #tpu.memory_space<hbm>> -> memref<16x768xf32, #tpu.memory_space<hbm>>
      tpu.wait_dma2 semaphore(%arg31 : memref<!tpu.dma_semaphore, #tpu.memory_space<semaphore_mem>>) src(%dma_wait3A_205 : memref<16x768xf32, #tpu.memory_space<hbm>>) dst(%arg19 : memref<16x768xf32, #tpu.memory_space<vmem>>)
      %dma_wait3A_206 = arith.constant 0 : i32
      %dma_wait3A_207 = arith.constant 0 : i32
      %dma_wait3A_208 = tpu.memref_slice %arg7[%dma_wait3A_206, %dma_wait3A_207] : memref<2048x768xf32, #tpu.memory_space<hbm>> -> memref<16x768xf32, #tpu.memory_space<hbm>>
      %dma_wait3A_209 = arith.constant 0 : i32
      %dma_wait3A_210 = arith.constant 0 : i32
      %dma_wait3A_211 = tpu.memref_slice %arg7[%dma_wait3A_209, %dma_wait3A_210] : memref<2048x768xf32, #tpu.memory_space<hbm>> -> memref<16x768xf32, #tpu.memory_space<hbm>>
      tpu.wait_dma2 semaphore(%arg31 : memref<!tpu.dma_semaphore, #tpu.memory_space<semaphore_mem>>) src(%dma_wait3A_211 : memref<16x768xf32, #tpu.memory_space<hbm>>) dst(%arg22 : memref<16x768xf32, #tpu.memory_space<vmem>>)
      %dma_wait3A_212 = arith.constant 0 : i32
      %dma_wait3A_213 = arith.constant 0 : i32
      %dma_wait3A_214 = tpu.memref_slice %arg8[%dma_wait3A_212, %dma_wait3A_213] : memref<8192x768xf32, #tpu.memory_space<hbm>> -> memref<16x768xf32, #tpu.memory_space<hbm>>
      %dma_wait3A_215 = arith.constant 0 : i32
      %dma_wait3A_216 = arith.constant 0 : i32
      %dma_wait3A_217 = tpu.memref_slice %arg8[%dma_wait3A_215, %dma_wait3A_216] : memref<8192x768xf32, #tpu.memory_space<hbm>> -> memref<16x768xf32, #tpu.memory_space<hbm>>
      tpu.wait_dma2 semaphore(%arg31 : memref<!tpu.dma_semaphore, #tpu.memory_space<semaphore_mem>>) src(%dma_wait3A_217 : memref<16x768xf32, #tpu.memory_space<hbm>>) dst(%arg25 : memref<16x768xf32, #tpu.memory_space<vmem>>)
      %dma_wait3A_218 = arith.constant 0 : i32
      %dma_wait3A_219 = arith.constant 0 : i32
      %dma_wait3A_220 = tpu.memref_slice %arg5[%dma_wait3A_218, %dma_wait3A_219] : memref<32768x16xf32, #tpu.memory_space<hbm>> -> memref<16x16xf32, #tpu.memory_space<hbm>>
      %dma_wait3A_221 = arith.constant 0 : i32
      %dma_wait3A_222 = arith.constant 0 : i32
      %dma_wait3A_223 = tpu.memref_slice %arg5[%dma_wait3A_221, %dma_wait3A_222] : memref<32768x16xf32, #tpu.memory_space<hbm>> -> memref<16x16xf32, #tpu.memory_space<hbm>>
      tpu.wait_dma2 semaphore(%arg31 : memref<!tpu.dma_semaphore, #tpu.memory_space<semaphore_mem>>) src(%dma_wait3A_223 : memref<16x16xf32, #tpu.memory_space<hbm>>) dst(%arg28 : memref<16x16xf32, #tpu.memory_space<vmem>>)
      %add3A_224 = arith.constant 2 : i32
      %add3A_225 = arith.addi %add3A_199, %add3A_224 : i32
      %lt3A_226 = arith.constant 64 : i32
      %lt3A_227 = arith.cmpi slt, %add3A_225, %lt3A_226 : i32
      %convert_element_type3A_228 = arith.extui %lt3A_227 : i1 to i32
      %cond3A_229 = arith.constant 0 : i32
      %cond3A_230 = arith.cmpi ne, %convert_element_type3A_228, %cond3A_229 : i32
      scf.if %cond3A_230 {
        %ge3A = arith.constant 1 : i32
        %ge3A_245 = arith.cmpi sge, %add3A_199, %ge3A : i32
        %convert_element_type3A_246 = arith.extui %ge3A_245 : i1 to i32
        %cond3A_247 = arith.constant 0 : i32
        %cond3A_248 = arith.cmpi ne, %convert_element_type3A_246, %cond3A_247 : i32
        scf.if %cond3A_248 {
          %dma_wait3A_273 = arith.constant 0 : i32
          %dma_wait3A_274 = arith.constant 0 : i32
          %dma_wait3A_275 = tpu.memref_slice %arg6[%dma_wait3A_273, %dma_wait3A_274] : memref<100000x768xf32, #tpu.memory_space<hbm>> -> memref<16x768xf32, #tpu.memory_space<hbm>>
          %dma_wait3A_276 = arith.constant 0 : i32
          %dma_wait3A_277 = arith.constant 0 : i32
          %dma_wait3A_278 = tpu.memref_slice %arg6[%dma_wait3A_276, %dma_wait3A_277] : memref<100000x768xf32, #tpu.memory_space<hbm>> -> memref<16x768xf32, #tpu.memory_space<hbm>>
          tpu.wait_dma2 semaphore(%arg33 : memref<!tpu.dma_semaphore, #tpu.memory_space<semaphore_mem>>) src(%dma_wait3A_278 : memref<16x768xf32, #tpu.memory_space<hbm>>) dst(%arg18 : memref<16x768xf32, #tpu.memory_space<vmem>>)
        } else {
        }
        %add3A_249 = arith.constant 2 : i32
        %add3A_250 = arith.addi %add3A_199, %add3A_249 : i32
        %mul3A_251 = arith.constant 16 : i32
        %mul3A_252 = arith.muli %add3A_250, %mul3A_251 : i32
        %multiple_of3A_253 = tpu.assume_multiple %mul3A_252, 16 : i32
        %mul3A_254 = arith.constant 16 : i32
        %mul3A_255 = arith.muli %add3A_250, %mul3A_254 : i32
        %add3A_256 = arith.addi %mul3A_2, %mul3A_255 : i32
        %dma_start3A_257 = tpu.memref_slice %arg12[%multiple_of3A_253] : memref<1024xi32, #tpu.memory_space<vmem>> -> memref<16xi32, #tpu.memory_space<vmem>>
        %dma_start3A_258 = arith.constant 0 : i32
        %dma_start3A_259 = arith.constant 0 : i32
        %dma_start3A_260 = tpu.memref_slice %arg6[%dma_start3A_258, %dma_start3A_259] : memref<100000x768xf32, #tpu.memory_space<hbm>> -> memref<100000x768xf32, #tpu.memory_space<hbm>>
        tpu.enqueue_indirect_dma source(%dma_start3A_260 : memref<100000x768xf32, #tpu.memory_space<hbm>>) target(%arg18 : memref<16x768xf32, #tpu.memory_space<vmem>>) offsets(%dma_start3A_257 : memref<16xi32, #tpu.memory_space<vmem>>) semaphore(%arg30 : memref<!tpu.dma_semaphore, #tpu.memory_space<semaphore_mem>>)
        %dma_start3A_261 = tpu.memref_slice %arg13[%multiple_of3A_253] : memref<1024xi32, #tpu.memory_space<vmem>> -> memref<16xi32, #tpu.memory_space<vmem>>
        %dma_start3A_262 = arith.constant 0 : i32
        %dma_start3A_263 = arith.constant 0 : i32
        %dma_start3A_264 = tpu.memref_slice %arg7[%dma_start3A_262, %dma_start3A_263] : memref<2048x768xf32, #tpu.memory_space<hbm>> -> memref<2048x768xf32, #tpu.memory_space<hbm>>
        tpu.enqueue_indirect_dma source(%dma_start3A_264 : memref<2048x768xf32, #tpu.memory_space<hbm>>) target(%arg21 : memref<16x768xf32, #tpu.memory_space<vmem>>) offsets(%dma_start3A_261 : memref<16xi32, #tpu.memory_space<vmem>>) semaphore(%arg30 : memref<!tpu.dma_semaphore, #tpu.memory_space<semaphore_mem>>)
        %dma_start3A_265 = tpu.memref_slice %arg14[%multiple_of3A_253] : memref<1024xi32, #tpu.memory_space<vmem>> -> memref<16xi32, #tpu.memory_space<vmem>>
        %dma_start3A_266 = arith.constant 0 : i32
        %dma_start3A_267 = arith.constant 0 : i32
        %dma_start3A_268 = tpu.memref_slice %arg8[%dma_start3A_266, %dma_start3A_267] : memref<8192x768xf32, #tpu.memory_space<hbm>> -> memref<8192x768xf32, #tpu.memory_space<hbm>>
        tpu.enqueue_indirect_dma source(%dma_start3A_268 : memref<8192x768xf32, #tpu.memory_space<hbm>>) target(%arg24 : memref<16x768xf32, #tpu.memory_space<vmem>>) offsets(%dma_start3A_265 : memref<16xi32, #tpu.memory_space<vmem>>) semaphore(%arg30 : memref<!tpu.dma_semaphore, #tpu.memory_space<semaphore_mem>>)
        %dma_start3A_269 = arith.constant 0 : i32
        %dma_start3A_270 = tpu.memref_slice %arg5[%add3A_256, %dma_start3A_269] : memref<32768x16xf32, #tpu.memory_space<hbm>> -> memref<16x16xf32, #tpu.memory_space<hbm>>
        %dma_start3A_271 = arith.constant 0 : i32
        %dma_start3A_272 = tpu.memref_slice %arg5[%add3A_256, %dma_start3A_271] : memref<32768x16xf32, #tpu.memory_space<hbm>> -> memref<16x16xf32, #tpu.memory_space<hbm>>
        tpu.enqueue_dma source(%dma_start3A_272 : memref<16x16xf32, #tpu.memory_space<hbm>>) target(%arg27 : memref<16x16xf32, #tpu.memory_space<vmem>>) target_semaphore(%arg30 : memref<!tpu.dma_semaphore, #tpu.memory_space<semaphore_mem>>)
      } else {
      }
      %scan3A_231 = arith.constant 0 : i32
      %scan3A_232 = arith.constant 0 : i32
      %scan3A_233 = arith.constant 2 : i32
      %scan3A_234 = arith.addi %scan3A_232, %scan3A_233 : i32
      %scan3A_235 = arith.constant 1 : i32
      %scan3A_236 = scf.for %scan3A_245 = %scan3A_232 to %scan3A_234 step %scan3A_235 iter_args(%scan3A_246 = %scan3A_231) -> (i32)  : i32 {
        %mul3A_247 = arith.constant 8 : i32
        %mul3A_248 = arith.muli %scan3A_245, %mul3A_247 : i32
        %add3A_249 = arith.constant 0 : i32
        %add3A_250 = arith.addi %mul3A_248, %add3A_249 : i32
        %get3A = arith.index_cast %add3A_250 : i32 to index
        %get3A_251 = arith.constant 0 : index
        %get3A_252 = tpu.vector_load %arg28[%get3A, %get3A_251] {strides = array<i32>} : memref<16x16xf32, #tpu.memory_space<vmem>>, vector<1x16xf32>,
        %get3A_253 = vector.shape_cast %get3A_252 : vector<1x16xf32> to vector<16xf32>
        %add3A_254 = arith.constant 1 : i32
        %add3A_255 = arith.addi %mul3A_248, %add3A_254 : i32
        %get3A_256 = arith.index_cast %add3A_255 : i32 to index
        %get3A_257 = arith.constant 0 : index
        %get3A_258 = tpu.vector_load %arg28[%get3A_256, %get3A_257] {strides = array<i32>} : memref<16x16xf32, #tpu.memory_space<vmem>>, vector<1x16xf32>,
        %get3A_259 = vector.shape_cast %get3A_258 : vector<1x16xf32> to vector<16xf32>
        %add3A_260 = arith.constant 2 : i32
        %add3A_261 = arith.addi %mul3A_248, %add3A_260 : i32
        %get3A_262 = arith.index_cast %add3A_261 : i32 to index
        %get3A_263 = arith.constant 0 : index
        %get3A_264 = tpu.vector_load %arg28[%get3A_262, %get3A_263] {strides = array<i32>} : memref<16x16xf32, #tpu.memory_space<vmem>>, vector<1x16xf32>,
        %get3A_265 = vector.shape_cast %get3A_264 : vector<1x16xf32> to vector<16xf32>
        %add3A_266 = arith.constant 3 : i32
        %add3A_267 = arith.addi %mul3A_248, %add3A_266 : i32
        %get3A_268 = arith.index_cast %add3A_267 : i32 to index
        %get3A_269 = arith.constant 0 : index
        %get3A_270 = tpu.vector_load %arg28[%get3A_268, %get3A_269] {strides = array<i32>} : memref<16x16xf32, #tpu.memory_space<vmem>>, vector<1x16xf32>,
        %get3A_271 = vector.shape_cast %get3A_270 : vector<1x16xf32> to vector<16xf32>
        %add3A_272 = arith.constant 4 : i32
        %add3A_273 = arith.addi %mul3A_248, %add3A_272 : i32
        %get3A_274 = arith.index_cast %add3A_273 : i32 to index
        %get3A_275 = arith.constant 0 : index
        %get3A_276 = tpu.vector_load %arg28[%get3A_274, %get3A_275] {strides = array<i32>} : memref<16x16xf32, #tpu.memory_space<vmem>>, vector<1x16xf32>,
        %get3A_277 = vector.shape_cast %get3A_276 : vector<1x16xf32> to vector<16xf32>
        %add3A_278 = arith.constant 5 : i32
        %add3A_279 = arith.addi %mul3A_248, %add3A_278 : i32
        %get3A_280 = arith.index_cast %add3A_279 : i32 to index
        %get3A_281 = arith.constant 0 : index
        %get3A_282 = tpu.vector_load %arg28[%get3A_280, %get3A_281] {strides = array<i32>} : memref<16x16xf32, #tpu.memory_space<vmem>>, vector<1x16xf32>,
        %get3A_283 = vector.shape_cast %get3A_282 : vector<1x16xf32> to vector<16xf32>
        %add3A_284 = arith.constant 6 : i32
        %add3A_285 = arith.addi %mul3A_248, %add3A_284 : i32
        %get3A_286 = arith.index_cast %add3A_285 : i32 to index
        %get3A_287 = arith.constant 0 : index
        %get3A_288 = tpu.vector_load %arg28[%get3A_286, %get3A_287] {strides = array<i32>} : memref<16x16xf32, #tpu.memory_space<vmem>>, vector<1x16xf32>,
        %get3A_289 = vector.shape_cast %get3A_288 : vector<1x16xf32> to vector<16xf32>
        %add3A_290 = arith.constant 7 : i32
        %add3A_291 = arith.addi %mul3A_248, %add3A_290 : i32
        %get3A_292 = arith.index_cast %add3A_291 : i32 to index
        %get3A_293 = arith.constant 0 : index
        %get3A_294 = tpu.vector_load %arg28[%get3A_292, %get3A_293] {strides = array<i32>} : memref<16x16xf32, #tpu.memory_space<vmem>>, vector<1x16xf32>,
        %get3A_295 = vector.shape_cast %get3A_294 : vector<1x16xf32> to vector<16xf32>
        %scan3A_296 = arith.constant 0 : i32
        %scan3A_297 = arith.constant 0 : i32
        %scan3A_298 = arith.constant 48 : i32
        %scan3A_299 = arith.addi %scan3A_297, %scan3A_298 : i32
        %scan3A_300 = arith.constant 1 : i32
        %scan3A_301 = scf.for %scan3A_304 = %scan3A_297 to %scan3A_299 step %scan3A_300 iter_args(%scan3A_305 = %scan3A_296) -> (i32)  : i32 {
          %mul3A_306 = arith.constant 16 : i32
          %mul3A_307 = arith.muli %scan3A_304, %mul3A_306 : i32
          %multiple_of3A_308 = tpu.assume_multiple %mul3A_307, 16 : i32
          %get3A_309 = arith.index_cast %multiple_of3A_308 : i32 to index
          %get3A_310 = tpu.vector_load %arg15[%get3A_309] {strides = array<i32>} : memref<768xf32, #tpu.memory_space<vmem>>, vector<16xf32>,
          %get3A_311 = vector.shape_cast %get3A_310 : vector<16xf32> to vector<16xf32>
          %get3A_312 = arith.index_cast %multiple_of3A_308 : i32 to index
          %get3A_313 = tpu.vector_load %arg16[%get3A_312] {strides = array<i32>} : memref<768xf32, #tpu.memory_space<vmem>>, vector<16xf32>,
          %get3A_314 = vector.shape_cast %get3A_313 : vector<16xf32> to vector<16xf32>
          %add3A_315 = arith.constant 0 : i32
          %add3A_316 = arith.addi %mul3A_248, %add3A_315 : i32
          %get3A_317 = arith.index_cast %add3A_316 : i32 to index
          %get3A_318 = arith.index_cast %multiple_of3A_308 : i32 to index
          %get3A_319 = tpu.vector_load %arg22[%get3A_317, %get3A_318] {strides = array<i32>} : memref<16x768xf32, #tpu.memory_space<vmem>>, vector<1x16xf32>,
          %get3A_320 = vector.shape_cast %get3A_319 : vector<1x16xf32> to vector<16xf32>
          %get3A_321 = arith.index_cast %add3A_316 : i32 to index
          %get3A_322 = arith.index_cast %multiple_of3A_308 : i32 to index
          %get3A_323 = tpu.vector_load %arg25[%get3A_321, %get3A_322] {strides = array<i32>} : memref<16x768xf32, #tpu.memory_space<vmem>>, vector<1x16xf32>,
          %get3A_324 = vector.shape_cast %get3A_323 : vector<1x16xf32> to vector<16xf32>
          %add3A_325 = arith.addf %get3A_320, %get3A_324 : vector<16xf32>
          %mul3A_326 = arith.mulf %get3A_253, %get3A_311 : vector<16xf32>
          %add3A_327 = arith.addf %add3A_325, %mul3A_326 : vector<16xf32>
          %add3A_328 = arith.addf %add3A_327, %get3A_314 : vector<16xf32>
          %swap3A = arith.index_cast %add3A_316 : i32 to index
          %swap3A_329 = arith.index_cast %multiple_of3A_308 : i32 to index
          %swap3A_330 = tpu.vector_load %arg19[%swap3A, %swap3A_329] {strides = array<i32>} : memref<16x768xf32, #tpu.memory_space<vmem>>, vector<1x16xf32>,
          %swap3A_331 = vector.shape_cast %swap3A_330 : vector<1x16xf32> to vector<16xf32>
          %swap3A_332 = vector.shape_cast %add3A_328 : vector<16xf32> to vector<1x16xf32>
          tpu.vector_store %arg19[%swap3A, %swap3A_329], %swap3A_332 {add = true, strides = array<i32>} : memref<16x768xf32, #tpu.memory_space<vmem>>, vector<1x16xf32>,
          %add3A_333 = arith.constant 1 : i32
          %add3A_334 = arith.addi %mul3A_248, %add3A_333 : i32
          %get3A_335 = arith.index_cast %add3A_334 : i32 to index
          %get3A_336 = arith.index_cast %multiple_of3A_308 : i32 to index
          %get3A_337 = tpu.vector_load %arg22[%get3A_335, %get3A_336] {strides = array<i32>} : memref<16x768xf32, #tpu.memory_space<vmem>>, vector<1x16xf32>,
          %get3A_338 = vector.shape_cast %get3A_337 : vector<1x16xf32> to vector<16xf32>
          %get3A_339 = arith.index_cast %add3A_334 : i32 to index
          %get3A_340 = arith.index_cast %multiple_of3A_308 : i32 to index
          %get3A_341 = tpu.vector_load %arg25[%get3A_339, %get3A_340] {strides = array<i32>} : memref<16x768xf32, #tpu.memory_space<vmem>>, vector<1x16xf32>,
          %get3A_342 = vector.shape_cast %get3A_341 : vector<1x16xf32> to vector<16xf32>
          %add3A_343 = arith.addf %get3A_338, %get3A_342 : vector<16xf32>
          %mul3A_344 = arith.mulf %get3A_259, %get3A_311 : vector<16xf32>
          %add3A_345 = arith.addf %add3A_343, %mul3A_344 : vector<16xf32>
          %add3A_346 = arith.addf %add3A_345, %get3A_314 : vector<16xf32>
          %swap3A_347 = arith.index_cast %add3A_334 : i32 to index
          %swap3A_348 = arith.index_cast %multiple_of3A_308 : i32 to index
          %swap3A_349 = tpu.vector_load %arg19[%swap3A_347, %swap3A_348] {strides = array<i32>} : memref<16x768xf32, #tpu.memory_space<vmem>>, vector<1x16xf32>,
          %swap3A_350 = vector.shape_cast %swap3A_349 : vector<1x16xf32> to vector<16xf32>
          %swap3A_351 = vector.shape_cast %add3A_346 : vector<16xf32> to vector<1x16xf32>
          tpu.vector_store %arg19[%swap3A_347, %swap3A_348], %swap3A_351 {add = true, strides = array<i32>} : memref<16x768xf32, #tpu.memory_space<vmem>>, vector<1x16xf32>,
          %add3A_352 = arith.constant 2 : i32
          %add3A_353 = arith.addi %mul3A_248, %add3A_352 : i32
          %get3A_354 = arith.index_cast %add3A_353 : i32 to index
          %get3A_355 = arith.index_cast %multiple_of3A_308 : i32 to index
          %get3A_356 = tpu.vector_load %arg22[%get3A_354, %get3A_355] {strides = array<i32>} : memref<16x768xf32, #tpu.memory_space<vmem>>, vector<1x16xf32>,
          %get3A_357 = vector.shape_cast %get3A_356 : vector<1x16xf32> to vector<16xf32>
          %get3A_358 = arith.index_cast %add3A_353 : i32 to index
          %get3A_359 = arith.index_cast %multiple_of3A_308 : i32 to index
          %get3A_360 = tpu.vector_load %arg25[%get3A_358, %get3A_359] {strides = array<i32>} : memref<16x768xf32, #tpu.memory_space<vmem>>, vector<1x16xf32>,
          %get3A_361 = vector.shape_cast %get3A_360 : vector<1x16xf32> to vector<16xf32>
          %add3A_362 = arith.addf %get3A_357, %get3A_361 : vector<16xf32>
          %mul3A_363 = arith.mulf %get3A_265, %get3A_311 : vector<16xf32>
          %add3A_364 = arith.addf %add3A_362, %mul3A_363 : vector<16xf32>
          %add3A_365 = arith.addf %add3A_364, %get3A_314 : vector<16xf32>
          %swap3A_366 = arith.index_cast %add3A_353 : i32 to index
          %swap3A_367 = arith.index_cast %multiple_of3A_308 : i32 to index
          %swap3A_368 = tpu.vector_load %arg19[%swap3A_366, %swap3A_367] {strides = array<i32>} : memref<16x768xf32, #tpu.memory_space<vmem>>, vector<1x16xf32>,
          %swap3A_369 = vector.shape_cast %swap3A_368 : vector<1x16xf32> to vector<16xf32>
          %swap3A_370 = vector.shape_cast %add3A_365 : vector<16xf32> to vector<1x16xf32>
          tpu.vector_store %arg19[%swap3A_366, %swap3A_367], %swap3A_370 {add = true, strides = array<i32>} : memref<16x768xf32, #tpu.memory_space<vmem>>, vector<1x16xf32>,
          %add3A_371 = arith.constant 3 : i32
          %add3A_372 = arith.addi %mul3A_248, %add3A_371 : i32
          %get3A_373 = arith.index_cast %add3A_372 : i32 to index
          %get3A_374 = arith.index_cast %multiple_of3A_308 : i32 to index
          %get3A_375 = tpu.vector_load %arg22[%get3A_373, %get3A_374] {strides = array<i32>} : memref<16x768xf32, #tpu.memory_space<vmem>>, vector<1x16xf32>,
          %get3A_376 = vector.shape_cast %get3A_375 : vector<1x16xf32> to vector<16xf32>
          %get3A_377 = arith.index_cast %add3A_372 : i32 to index
          %get3A_378 = arith.index_cast %multiple_of3A_308 : i32 to index
          %get3A_379 = tpu.vector_load %arg25[%get3A_377, %get3A_378] {strides = array<i32>} : memref<16x768xf32, #tpu.memory_space<vmem>>, vector<1x16xf32>,
          %get3A_380 = vector.shape_cast %get3A_379 : vector<1x16xf32> to vector<16xf32>
          %add3A_381 = arith.addf %get3A_376, %get3A_380 : vector<16xf32>
          %mul3A_382 = arith.mulf %get3A_271, %get3A_311 : vector<16xf32>
          %add3A_383 = arith.addf %add3A_381, %mul3A_382 : vector<16xf32>
          %add3A_384 = arith.addf %add3A_383, %get3A_314 : vector<16xf32>
          %swap3A_385 = arith.index_cast %add3A_372 : i32 to index
          %swap3A_386 = arith.index_cast %multiple_of3A_308 : i32 to index
          %swap3A_387 = tpu.vector_load %arg19[%swap3A_385, %swap3A_386] {strides = array<i32>} : memref<16x768xf32, #tpu.memory_space<vmem>>, vector<1x16xf32>,
          %swap3A_388 = vector.shape_cast %swap3A_387 : vector<1x16xf32> to vector<16xf32>
          %swap3A_389 = vector.shape_cast %add3A_384 : vector<16xf32> to vector<1x16xf32>
          tpu.vector_store %arg19[%swap3A_385, %swap3A_386], %swap3A_389 {add = true, strides = array<i32>} : memref<16x768xf32, #tpu.memory_space<vmem>>, vector<1x16xf32>,
          %add3A_390 = arith.constant 4 : i32
          %add3A_391 = arith.addi %mul3A_248, %add3A_390 : i32
          %get3A_392 = arith.index_cast %add3A_391 : i32 to index
          %get3A_393 = arith.index_cast %multiple_of3A_308 : i32 to index
          %get3A_394 = tpu.vector_load %arg22[%get3A_392, %get3A_393] {strides = array<i32>} : memref<16x768xf32, #tpu.memory_space<vmem>>, vector<1x16xf32>,
          %get3A_395 = vector.shape_cast %get3A_394 : vector<1x16xf32> to vector<16xf32>
          %get3A_396 = arith.index_cast %add3A_391 : i32 to index
          %get3A_397 = arith.index_cast %multiple_of3A_308 : i32 to index
          %get3A_398 = tpu.vector_load %arg25[%get3A_396, %get3A_397] {strides = array<i32>} : memref<16x768xf32, #tpu.memory_space<vmem>>, vector<1x16xf32>,
          %get3A_399 = vector.shape_cast %get3A_398 : vector<1x16xf32> to vector<16xf32>
          %add3A_400 = arith.addf %get3A_395, %get3A_399 : vector<16xf32>
          %mul3A_401 = arith.mulf %get3A_277, %get3A_311 : vector<16xf32>
          %add3A_402 = arith.addf %add3A_400, %mul3A_401 : vector<16xf32>
          %add3A_403 = arith.addf %add3A_402, %get3A_314 : vector<16xf32>
          %swap3A_404 = arith.index_cast %add3A_391 : i32 to index
          %swap3A_405 = arith.index_cast %multiple_of3A_308 : i32 to index
          %swap3A_406 = tpu.vector_load %arg19[%swap3A_404, %swap3A_405] {strides = array<i32>} : memref<16x768xf32, #tpu.memory_space<vmem>>, vector<1x16xf32>,
          %swap3A_407 = vector.shape_cast %swap3A_406 : vector<1x16xf32> to vector<16xf32>
          %swap3A_408 = vector.shape_cast %add3A_403 : vector<16xf32> to vector<1x16xf32>
          tpu.vector_store %arg19[%swap3A_404, %swap3A_405], %swap3A_408 {add = true, strides = array<i32>} : memref<16x768xf32, #tpu.memory_space<vmem>>, vector<1x16xf32>,
          %add3A_409 = arith.constant 5 : i32
          %add3A_410 = arith.addi %mul3A_248, %add3A_409 : i32
          %get3A_411 = arith.index_cast %add3A_410 : i32 to index
          %get3A_412 = arith.index_cast %multiple_of3A_308 : i32 to index
          %get3A_413 = tpu.vector_load %arg22[%get3A_411, %get3A_412] {strides = array<i32>} : memref<16x768xf32, #tpu.memory_space<vmem>>, vector<1x16xf32>,
          %get3A_414 = vector.shape_cast %get3A_413 : vector<1x16xf32> to vector<16xf32>
          %get3A_415 = arith.index_cast %add3A_410 : i32 to index
          %get3A_416 = arith.index_cast %multiple_of3A_308 : i32 to index
          %get3A_417 = tpu.vector_load %arg25[%get3A_415, %get3A_416] {strides = array<i32>} : memref<16x768xf32, #tpu.memory_space<vmem>>, vector<1x16xf32>,
          %get3A_418 = vector.shape_cast %get3A_417 : vector<1x16xf32> to vector<16xf32>
          %add3A_419 = arith.addf %get3A_414, %get3A_418 : vector<16xf32>
          %mul3A_420 = arith.mulf %get3A_283, %get3A_311 : vector<16xf32>
          %add3A_421 = arith.addf %add3A_419, %mul3A_420 : vector<16xf32>
          %add3A_422 = arith.addf %add3A_421, %get3A_314 : vector<16xf32>
          %swap3A_423 = arith.index_cast %add3A_410 : i32 to index
          %swap3A_424 = arith.index_cast %multiple_of3A_308 : i32 to index
          %swap3A_425 = tpu.vector_load %arg19[%swap3A_423, %swap3A_424] {strides = array<i32>} : memref<16x768xf32, #tpu.memory_space<vmem>>, vector<1x16xf32>,
          %swap3A_426 = vector.shape_cast %swap3A_425 : vector<1x16xf32> to vector<16xf32>
          %swap3A_427 = vector.shape_cast %add3A_422 : vector<16xf32> to vector<1x16xf32>
          tpu.vector_store %arg19[%swap3A_423, %swap3A_424], %swap3A_427 {add = true, strides = array<i32>} : memref<16x768xf32, #tpu.memory_space<vmem>>, vector<1x16xf32>,
          %add3A_428 = arith.constant 6 : i32
          %add3A_429 = arith.addi %mul3A_248, %add3A_428 : i32
          %get3A_430 = arith.index_cast %add3A_429 : i32 to index
          %get3A_431 = arith.index_cast %multiple_of3A_308 : i32 to index
          %get3A_432 = tpu.vector_load %arg22[%get3A_430, %get3A_431] {strides = array<i32>} : memref<16x768xf32, #tpu.memory_space<vmem>>, vector<1x16xf32>,
          %get3A_433 = vector.shape_cast %get3A_432 : vector<1x16xf32> to vector<16xf32>
          %get3A_434 = arith.index_cast %add3A_429 : i32 to index
          %get3A_435 = arith.index_cast %multiple_of3A_308 : i32 to index
          %get3A_436 = tpu.vector_load %arg25[%get3A_434, %get3A_435] {strides = array<i32>} : memref<16x768xf32, #tpu.memory_space<vmem>>, vector<1x16xf32>,
          %get3A_437 = vector.shape_cast %get3A_436 : vector<1x16xf32> to vector<16xf32>
          %add3A_438 = arith.addf %get3A_433, %get3A_437 : vector<16xf32>
          %mul3A_439 = arith.mulf %get3A_289, %get3A_311 : vector<16xf32>
          %add3A_440 = arith.addf %add3A_438, %mul3A_439 : vector<16xf32>
          %add3A_441 = arith.addf %add3A_440, %get3A_314 : vector<16xf32>
          %swap3A_442 = arith.index_cast %add3A_429 : i32 to index
          %swap3A_443 = arith.index_cast %multiple_of3A_308 : i32 to index
          %swap3A_444 = tpu.vector_load %arg19[%swap3A_442, %swap3A_443] {strides = array<i32>} : memref<16x768xf32, #tpu.memory_space<vmem>>, vector<1x16xf32>,
          %swap3A_445 = vector.shape_cast %swap3A_444 : vector<1x16xf32> to vector<16xf32>
          %swap3A_446 = vector.shape_cast %add3A_441 : vector<16xf32> to vector<1x16xf32>
          tpu.vector_store %arg19[%swap3A_442, %swap3A_443], %swap3A_446 {add = true, strides = array<i32>} : memref<16x768xf32, #tpu.memory_space<vmem>>, vector<1x16xf32>,
          %add3A_447 = arith.constant 7 : i32
          %add3A_448 = arith.addi %mul3A_248, %add3A_447 : i32
          %get3A_449 = arith.index_cast %add3A_448 : i32 to index
          %get3A_450 = arith.index_cast %multiple_of3A_308 : i32 to index
          %get3A_451 = tpu.vector_load %arg22[%get3A_449, %get3A_450] {strides = array<i32>} : memref<16x768xf32, #tpu.memory_space<vmem>>, vector<1x16xf32>,
          %get3A_452 = vector.shape_cast %get3A_451 : vector<1x16xf32> to vector<16xf32>
          %get3A_453 = arith.index_cast %add3A_448 : i32 to index
          %get3A_454 = arith.index_cast %multiple_of3A_308 : i32 to index
          %get3A_455 = tpu.vector_load %arg25[%get3A_453, %get3A_454] {strides = array<i32>} : memref<16x768xf32, #tpu.memory_space<vmem>>, vector<1x16xf32>,
          %get3A_456 = vector.shape_cast %get3A_455 : vector<1x16xf32> to vector<16xf32>
          %add3A_457 = arith.addf %get3A_452, %get3A_456 : vector<16xf32>
          %mul3A_458 = arith.mulf %get3A_295, %get3A_311 : vector<16xf32>
          %add3A_459 = arith.addf %add3A_457, %mul3A_458 : vector<16xf32>
          %add3A_460 = arith.addf %add3A_459, %get3A_314 : vector<16xf32>
          %swap3A_461 = arith.index_cast %add3A_448 : i32 to index
          %swap3A_462 = arith.index_cast %multiple_of3A_308 : i32 to index
          %swap3A_463 = tpu.vector_load %arg19[%swap3A_461, %swap3A_462] {strides = array<i32>} : memref<16x768xf32, #tpu.memory_space<vmem>>, vector<1x16xf32>,
          %swap3A_464 = vector.shape_cast %swap3A_463 : vector<1x16xf32> to vector<16xf32>
          %swap3A_465 = vector.shape_cast %add3A_460 : vector<16xf32> to vector<1x16xf32>
          tpu.vector_store %arg19[%swap3A_461, %swap3A_462], %swap3A_465 {add = true, strides = array<i32>} : memref<16x768xf32, #tpu.memory_space<vmem>>, vector<1x16xf32>,
          %scan3A_466 = arith.constant 0 : i32
          scf.yield %scan3A_466 : i32
        }
        %scan3A_302 = arith.constant 48 : i32
        %scan3A_303 = arith.constant 0 : i32
        scf.yield %scan3A_303 : i32
      }
      %scan3A_237 = arith.constant 2 : i32
      %mul3A_238 = arith.constant 16 : i32
      %mul3A_239 = arith.muli %add3A_199, %mul3A_238 : i32
      %add3A_240 = arith.addi %mul3A_2, %mul3A_239 : i32
      %dma_start3A_241 = arith.constant 0 : i32
      %dma_start3A_242 = tpu.memref_slice %arg11[%add3A_240, %dma_start3A_241] : memref<32768x768xf32, #tpu.memory_space<hbm>> -> memref<16x768xf32, #tpu.memory_space<hbm>>
      %dma_start3A_243 = arith.constant 0 : i32
      %dma_start3A_244 = tpu.memref_slice %arg11[%add3A_240, %dma_start3A_243] : memref<32768x768xf32, #tpu.memory_space<hbm>> -> memref<16x768xf32, #tpu.memory_space<hbm>>
      tpu.enqueue_dma source(%arg19 : memref<16x768xf32, #tpu.memory_space<vmem>>) target(%dma_start3A_244 : memref<16x768xf32, #tpu.memory_space<hbm>>) target_semaphore(%arg34 : memref<!tpu.dma_semaphore, #tpu.memory_space<semaphore_mem>>)
    }
    %scan3A_45 = arith.constant 21 : i32
    %dma_wait3A = arith.constant 0 : i32
    %dma_wait3A_46 = arith.constant 0 : i32
    %dma_wait3A_47 = tpu.memref_slice %arg6[%dma_wait3A, %dma_wait3A_46] : memref<100000x768xf32, #tpu.memory_space<hbm>> -> memref<16x768xf32, #tpu.memory_space<hbm>>
    %dma_wait3A_48 = arith.constant 0 : i32
    %dma_wait3A_49 = arith.constant 0 : i32
    %dma_wait3A_50 = tpu.memref_slice %arg6[%dma_wait3A_48, %dma_wait3A_49] : memref<100000x768xf32, #tpu.memory_space<hbm>> -> memref<16x768xf32, #tpu.memory_space<hbm>>
    tpu.wait_dma2 semaphore(%arg29 : memref<!tpu.dma_semaphore, #tpu.memory_space<semaphore_mem>>) src(%dma_wait3A_50 : memref<16x768xf32, #tpu.memory_space<hbm>>) dst(%arg17 : memref<16x768xf32, #tpu.memory_space<vmem>>)
    %dma_wait3A_51 = arith.constant 0 : i32
    %dma_wait3A_52 = arith.constant 0 : i32
    %dma_wait3A_53 = tpu.memref_slice %arg7[%dma_wait3A_51, %dma_wait3A_52] : memref<2048x768xf32, #tpu.memory_space<hbm>> -> memref<16x768xf32, #tpu.memory_space<hbm>>
    %dma_wait3A_54 = arith.constant 0 : i32
    %dma_wait3A_55 = arith.constant 0 : i32
    %dma_wait3A_56 = tpu.memref_slice %arg7[%dma_wait3A_54, %dma_wait3A_55] : memref<2048x768xf32, #tpu.memory_space<hbm>> -> memref<16x768xf32, #tpu.memory_space<hbm>>
    tpu.wait_dma2 semaphore(%arg29 : memref<!tpu.dma_semaphore, #tpu.memory_space<semaphore_mem>>) src(%dma_wait3A_56 : memref<16x768xf32, #tpu.memory_space<hbm>>) dst(%arg20 : memref<16x768xf32, #tpu.memory_space<vmem>>)
    %dma_wait3A_57 = arith.constant 0 : i32
    %dma_wait3A_58 = arith.constant 0 : i32
    %dma_wait3A_59 = tpu.memref_slice %arg8[%dma_wait3A_57, %dma_wait3A_58] : memref<8192x768xf32, #tpu.memory_space<hbm>> -> memref<16x768xf32, #tpu.memory_space<hbm>>
    %dma_wait3A_60 = arith.constant 0 : i32
    %dma_wait3A_61 = arith.constant 0 : i32
    %dma_wait3A_62 = tpu.memref_slice %arg8[%dma_wait3A_60, %dma_wait3A_61] : memref<8192x768xf32, #tpu.memory_space<hbm>> -> memref<16x768xf32, #tpu.memory_space<hbm>>
    tpu.wait_dma2 semaphore(%arg29 : memref<!tpu.dma_semaphore, #tpu.memory_space<semaphore_mem>>) src(%dma_wait3A_62 : memref<16x768xf32, #tpu.memory_space<hbm>>) dst(%arg23 : memref<16x768xf32, #tpu.memory_space<vmem>>)
    %dma_wait3A_63 = arith.constant 0 : i32
    %dma_wait3A_64 = arith.constant 0 : i32
    %dma_wait3A_65 = tpu.memref_slice %arg5[%dma_wait3A_63, %dma_wait3A_64] : memref<32768x16xf32, #tpu.memory_space<hbm>> -> memref<16x16xf32, #tpu.memory_space<hbm>>
    %dma_wait3A_66 = arith.constant 0 : i32
    %dma_wait3A_67 = arith.constant 0 : i32
    %dma_wait3A_68 = tpu.memref_slice %arg5[%dma_wait3A_66, %dma_wait3A_67] : memref<32768x16xf32, #tpu.memory_space<hbm>> -> memref<16x16xf32, #tpu.memory_space<hbm>>
    tpu.wait_dma2 semaphore(%arg29 : memref<!tpu.dma_semaphore, #tpu.memory_space<semaphore_mem>>) src(%dma_wait3A_68 : memref<16x16xf32, #tpu.memory_space<hbm>>) dst(%arg26 : memref<16x16xf32, #tpu.memory_space<vmem>>)
    %scan3A_69 = arith.constant 0 : i32
    %scan3A_70 = arith.constant 0 : i32
    %scan3A_71 = arith.constant 2 : i32
    %scan3A_72 = arith.addi %scan3A_70, %scan3A_71 : i32
    %scan3A_73 = arith.constant 1 : i32
    %scan3A_74 = scf.for %scan3A_100 = %scan3A_70 to %scan3A_72 step %scan3A_73 iter_args(%scan3A_101 = %scan3A_69) -> (i32)  : i32 {
      %mul3A_102 = arith.constant 8 : i32
      %mul3A_103 = arith.muli %scan3A_100, %mul3A_102 : i32
      %add3A_104 = arith.constant 0 : i32
      %add3A_105 = arith.addi %mul3A_103, %add3A_104 : i32
      %get3A = arith.index_cast %add3A_105 : i32 to index
      %get3A_106 = arith.constant 0 : index
      %get3A_107 = tpu.vector_load %arg26[%get3A, %get3A_106] {strides = array<i32>} : memref<16x16xf32, #tpu.memory_space<vmem>>, vector<1x16xf32>,
      %get3A_108 = vector.shape_cast %get3A_107 : vector<1x16xf32> to vector<16xf32>
      %add3A_109 = arith.constant 1 : i32
      %add3A_110 = arith.addi %mul3A_103, %add3A_109 : i32
      %get3A_111 = arith.index_cast %add3A_110 : i32 to index
      %get3A_112 = arith.constant 0 : index
      %get3A_113 = tpu.vector_load %arg26[%get3A_111, %get3A_112] {strides = array<i32>} : memref<16x16xf32, #tpu.memory_space<vmem>>, vector<1x16xf32>,
      %get3A_114 = vector.shape_cast %get3A_113 : vector<1x16xf32> to vector<16xf32>
      %add3A_115 = arith.constant 2 : i32
      %add3A_116 = arith.addi %mul3A_103, %add3A_115 : i32
      %get3A_117 = arith.index_cast %add3A_116 : i32 to index
      %get3A_118 = arith.constant 0 : index
      %get3A_119 = tpu.vector_load %arg26[%get3A_117, %get3A_118] {strides = array<i32>} : memref<16x16xf32, #tpu.memory_space<vmem>>, vector<1x16xf32>,
      %get3A_120 = vector.shape_cast %get3A_119 : vector<1x16xf32> to vector<16xf32>
      %add3A_121 = arith.constant 3 : i32
      %add3A_122 = arith.addi %mul3A_103, %add3A_121 : i32
      %get3A_123 = arith.index_cast %add3A_122 : i32 to index
      %get3A_124 = arith.constant 0 : index
      %get3A_125 = tpu.vector_load %arg26[%get3A_123, %get3A_124] {strides = array<i32>} : memref<16x16xf32, #tpu.memory_space<vmem>>, vector<1x16xf32>,
      %get3A_126 = vector.shape_cast %get3A_125 : vector<1x16xf32> to vector<16xf32>
      %add3A_127 = arith.constant 4 : i32
      %add3A_128 = arith.addi %mul3A_103, %add3A_127 : i32
      %get3A_129 = arith.index_cast %add3A_128 : i32 to index
      %get3A_130 = arith.constant 0 : index
      %get3A_131 = tpu.vector_load %arg26[%get3A_129, %get3A_130] {strides = array<i32>} : memref<16x16xf32, #tpu.memory_space<vmem>>, vector<1x16xf32>,
      %get3A_132 = vector.shape_cast %get3A_131 : vector<1x16xf32> to vector<16xf32>
      %add3A_133 = arith.constant 5 : i32
      %add3A_134 = arith.addi %mul3A_103, %add3A_133 : i32
      %get3A_135 = arith.index_cast %add3A_134 : i32 to index
      %get3A_136 = arith.constant 0 : index
      %get3A_137 = tpu.vector_load %arg26[%get3A_135, %get3A_136] {strides = array<i32>} : memref<16x16xf32, #tpu.memory_space<vmem>>, vector<1x16xf32>,
      %get3A_138 = vector.shape_cast %get3A_137 : vector<1x16xf32> to vector<16xf32>
      %add3A_139 = arith.constant 6 : i32
      %add3A_140 = arith.addi %mul3A_103, %add3A_139 : i32
      %get3A_141 = arith.index_cast %add3A_140 : i32 to index
      %get3A_142 = arith.constant 0 : index
      %get3A_143 = tpu.vector_load %arg26[%get3A_141, %get3A_142] {strides = array<i32>} : memref<16x16xf32, #tpu.memory_space<vmem>>, vector<1x16xf32>,
      %get3A_144 = vector.shape_cast %get3A_143 : vector<1x16xf32> to vector<16xf32>
      %add3A_145 = arith.constant 7 : i32
      %add3A_146 = arith.addi %mul3A_103, %add3A_145 : i32
      %get3A_147 = arith.index_cast %add3A_146 : i32 to index
      %get3A_148 = arith.constant 0 : index
      %get3A_149 = tpu.vector_load %arg26[%get3A_147, %get3A_148] {strides = array<i32>} : memref<16x16xf32, #tpu.memory_space<vmem>>, vector<1x16xf32>,
      %get3A_150 = vector.shape_cast %get3A_149 : vector<1x16xf32> to vector<16xf32>
      %scan3A_151 = arith.constant 0 : i32
      %scan3A_152 = arith.constant 0 : i32
      %scan3A_153 = arith.constant 48 : i32
      %scan3A_154 = arith.addi %scan3A_152, %scan3A_153 : i32
      %scan3A_155 = arith.constant 1 : i32
      %scan3A_156 = scf.for %scan3A_159 = %scan3A_152 to %scan3A_154 step %scan3A_155 iter_args(%scan3A_160 = %scan3A_151) -> (i32)  : i32 {
        %mul3A_161 = arith.constant 16 : i32
        %mul3A_162 = arith.muli %scan3A_159, %mul3A_161 : i32
        %multiple_of3A_163 = tpu.assume_multiple %mul3A_162, 16 : i32
        %get3A_164 = arith.index_cast %multiple_of3A_163 : i32 to index
        %get3A_165 = tpu.vector_load %arg15[%get3A_164] {strides = array<i32>} : memref<768xf32, #tpu.memory_space<vmem>>, vector<16xf32>,
        %get3A_166 = vector.shape_cast %get3A_165 : vector<16xf32> to vector<16xf32>
        %get3A_167 = arith.index_cast %multiple_of3A_163 : i32 to index
        %get3A_168 = tpu.vector_load %arg16[%get3A_167] {strides = array<i32>} : memref<768xf32, #tpu.memory_space<vmem>>, vector<16xf32>,
        %get3A_169 = vector.shape_cast %get3A_168 : vector<16xf32> to vector<16xf32>
        %add3A_170 = arith.constant 0 : i32
        %add3A_171 = arith.addi %mul3A_103, %add3A_170 : i32
        %get3A_172 = arith.index_cast %add3A_171 : i32 to index
        %get3A_173 = arith.index_cast %multiple_of3A_163 : i32 to index
        %get3A_174 = tpu.vector_load %arg20[%get3A_172, %get3A_173] {strides = array<i32>} : memref<16x768xf32, #tpu.memory_space<vmem>>, vector<1x16xf32>,
        %get3A_175 = vector.shape_cast %get3A_174 : vector<1x16xf32> to vector<16xf32>
        %get3A_176 = arith.index_cast %add3A_171 : i32 to index
        %get3A_177 = arith.index_cast %multiple_of3A_163 : i32 to index
        %get3A_178 = tpu.vector_load %arg23[%get3A_176, %get3A_177] {strides = array<i32>} : memref<16x768xf32, #tpu.memory_space<vmem>>, vector<1x16xf32>,
        %get3A_179 = vector.shape_cast %get3A_178 : vector<1x16xf32> to vector<16xf32>
        %add3A_180 = arith.addf %get3A_175, %get3A_179 : vector<16xf32>
        %mul3A_181 = arith.mulf %get3A_108, %get3A_166 : vector<16xf32>
        %add3A_182 = arith.addf %add3A_180, %mul3A_181 : vector<16xf32>
        %add3A_183 = arith.addf %add3A_182, %get3A_169 : vector<16xf32>
        %swap3A = arith.index_cast %add3A_171 : i32 to index
        %swap3A_184 = arith.index_cast %multiple_of3A_163 : i32 to index
        %swap3A_185 = tpu.vector_load %arg17[%swap3A, %swap3A_184] {strides = array<i32>} : memref<16x768xf32, #tpu.memory_space<vmem>>, vector<1x16xf32>,
        %swap3A_186 = vector.shape_cast %swap3A_185 : vector<1x16xf32> to vector<16xf32>
        %swap3A_187 = vector.shape_cast %add3A_183 : vector<16xf32> to vector<1x16xf32>
        tpu.vector_store %arg17[%swap3A, %swap3A_184], %swap3A_187 {add = true, strides = array<i32>} : memref<16x768xf32, #tpu.memory_space<vmem>>, vector<1x16xf32>,
        %add3A_188 = arith.constant 1 : i32
        %add3A_189 = arith.addi %mul3A_103, %add3A_188 : i32
        %get3A_190 = arith.index_cast %add3A_189 : i32 to index
        %get3A_191 = arith.index_cast %multiple_of3A_163 : i32 to index
        %get3A_192 = tpu.vector_load %arg20[%get3A_190, %get3A_191] {strides = array<i32>} : memref<16x768xf32, #tpu.memory_space<vmem>>, vector<1x16xf32>,
        %get3A_193 = vector.shape_cast %get3A_192 : vector<1x16xf32> to vector<16xf32>
        %get3A_194 = arith.index_cast %add3A_189 : i32 to index
        %get3A_195 = arith.index_cast %multiple_of3A_163 : i32 to index
        %get3A_196 = tpu.vector_load %arg23[%get3A_194, %get3A_195] {strides = array<i32>} : memref<16x768xf32, #tpu.memory_space<vmem>>, vector<1x16xf32>,
        %get3A_197 = vector.shape_cast %get3A_196 : vector<1x16xf32> to vector<16xf32>
        %add3A_198 = arith.addf %get3A_193, %get3A_197 : vector<16xf32>
        %mul3A_199 = arith.mulf %get3A_114, %get3A_166 : vector<16xf32>
        %add3A_200 = arith.addf %add3A_198, %mul3A_199 : vector<16xf32>
        %add3A_201 = arith.addf %add3A_200, %get3A_169 : vector<16xf32>
        %swap3A_202 = arith.index_cast %add3A_189 : i32 to index
        %swap3A_203 = arith.index_cast %multiple_of3A_163 : i32 to index
        %swap3A_204 = tpu.vector_load %arg17[%swap3A_202, %swap3A_203] {strides = array<i32>} : memref<16x768xf32, #tpu.memory_space<vmem>>, vector<1x16xf32>,
        %swap3A_205 = vector.shape_cast %swap3A_204 : vector<1x16xf32> to vector<16xf32>
        %swap3A_206 = vector.shape_cast %add3A_201 : vector<16xf32> to vector<1x16xf32>
        tpu.vector_store %arg17[%swap3A_202, %swap3A_203], %swap3A_206 {add = true, strides = array<i32>} : memref<16x768xf32, #tpu.memory_space<vmem>>, vector<1x16xf32>,
        %add3A_207 = arith.constant 2 : i32
        %add3A_208 = arith.addi %mul3A_103, %add3A_207 : i32
        %get3A_209 = arith.index_cast %add3A_208 : i32 to index
        %get3A_210 = arith.index_cast %multiple_of3A_163 : i32 to index
        %get3A_211 = tpu.vector_load %arg20[%get3A_209, %get3A_210] {strides = array<i32>} : memref<16x768xf32, #tpu.memory_space<vmem>>, vector<1x16xf32>,
        %get3A_212 = vector.shape_cast %get3A_211 : vector<1x16xf32> to vector<16xf32>
        %get3A_213 = arith.index_cast %add3A_208 : i32 to index
        %get3A_214 = arith.index_cast %multiple_of3A_163 : i32 to index
        %get3A_215 = tpu.vector_load %arg23[%get3A_213, %get3A_214] {strides = array<i32>} : memref<16x768xf32, #tpu.memory_space<vmem>>, vector<1x16xf32>,
        %get3A_216 = vector.shape_cast %get3A_215 : vector<1x16xf32> to vector<16xf32>
        %add3A_217 = arith.addf %get3A_212, %get3A_216 : vector<16xf32>
        %mul3A_218 = arith.mulf %get3A_120, %get3A_166 : vector<16xf32>
        %add3A_219 = arith.addf %add3A_217, %mul3A_218 : vector<16xf32>
        %add3A_220 = arith.addf %add3A_219, %get3A_169 : vector<16xf32>
        %swap3A_221 = arith.index_cast %add3A_208 : i32 to index
        %swap3A_222 = arith.index_cast %multiple_of3A_163 : i32 to index
        %swap3A_223 = tpu.vector_load %arg17[%swap3A_221, %swap3A_222] {strides = array<i32>} : memref<16x768xf32, #tpu.memory_space<vmem>>, vector<1x16xf32>,
        %swap3A_224 = vector.shape_cast %swap3A_223 : vector<1x16xf32> to vector<16xf32>
        %swap3A_225 = vector.shape_cast %add3A_220 : vector<16xf32> to vector<1x16xf32>
        tpu.vector_store %arg17[%swap3A_221, %swap3A_222], %swap3A_225 {add = true, strides = array<i32>} : memref<16x768xf32, #tpu.memory_space<vmem>>, vector<1x16xf32>,
        %add3A_226 = arith.constant 3 : i32
        %add3A_227 = arith.addi %mul3A_103, %add3A_226 : i32
        %get3A_228 = arith.index_cast %add3A_227 : i32 to index
        %get3A_229 = arith.index_cast %multiple_of3A_163 : i32 to index
        %get3A_230 = tpu.vector_load %arg20[%get3A_228, %get3A_229] {strides = array<i32>} : memref<16x768xf32, #tpu.memory_space<vmem>>, vector<1x16xf32>,
        %get3A_231 = vector.shape_cast %get3A_230 : vector<1x16xf32> to vector<16xf32>
        %get3A_232 = arith.index_cast %add3A_227 : i32 to index
        %get3A_233 = arith.index_cast %multiple_of3A_163 : i32 to index
        %get3A_234 = tpu.vector_load %arg23[%get3A_232, %get3A_233] {strides = array<i32>} : memref<16x768xf32, #tpu.memory_space<vmem>>, vector<1x16xf32>,
        %get3A_235 = vector.shape_cast %get3A_234 : vector<1x16xf32> to vector<16xf32>
        %add3A_236 = arith.addf %get3A_231, %get3A_235 : vector<16xf32>
        %mul3A_237 = arith.mulf %get3A_126, %get3A_166 : vector<16xf32>
        %add3A_238 = arith.addf %add3A_236, %mul3A_237 : vector<16xf32>
        %add3A_239 = arith.addf %add3A_238, %get3A_169 : vector<16xf32>
        %swap3A_240 = arith.index_cast %add3A_227 : i32 to index
        %swap3A_241 = arith.index_cast %multiple_of3A_163 : i32 to index
        %swap3A_242 = tpu.vector_load %arg17[%swap3A_240, %swap3A_241] {strides = array<i32>} : memref<16x768xf32, #tpu.memory_space<vmem>>, vector<1x16xf32>,
        %swap3A_243 = vector.shape_cast %swap3A_242 : vector<1x16xf32> to vector<16xf32>
        %swap3A_244 = vector.shape_cast %add3A_239 : vector<16xf32> to vector<1x16xf32>
        tpu.vector_store %arg17[%swap3A_240, %swap3A_241], %swap3A_244 {add = true, strides = array<i32>} : memref<16x768xf32, #tpu.memory_space<vmem>>, vector<1x16xf32>,
        %add3A_245 = arith.constant 4 : i32
        %add3A_246 = arith.addi %mul3A_103, %add3A_245 : i32
        %get3A_247 = arith.index_cast %add3A_246 : i32 to index
        %get3A_248 = arith.index_cast %multiple_of3A_163 : i32 to index
        %get3A_249 = tpu.vector_load %arg20[%get3A_247, %get3A_248] {strides = array<i32>} : memref<16x768xf32, #tpu.memory_space<vmem>>, vector<1x16xf32>,
        %get3A_250 = vector.shape_cast %get3A_249 : vector<1x16xf32> to vector<16xf32>
        %get3A_251 = arith.index_cast %add3A_246 : i32 to index
        %get3A_252 = arith.index_cast %multiple_of3A_163 : i32 to index
        %get3A_253 = tpu.vector_load %arg23[%get3A_251, %get3A_252] {strides = array<i32>} : memref<16x768xf32, #tpu.memory_space<vmem>>, vector<1x16xf32>,
        %get3A_254 = vector.shape_cast %get3A_253 : vector<1x16xf32> to vector<16xf32>
        %add3A_255 = arith.addf %get3A_250, %get3A_254 : vector<16xf32>
        %mul3A_256 = arith.mulf %get3A_132, %get3A_166 : vector<16xf32>
        %add3A_257 = arith.addf %add3A_255, %mul3A_256 : vector<16xf32>
        %add3A_258 = arith.addf %add3A_257, %get3A_169 : vector<16xf32>
        %swap3A_259 = arith.index_cast %add3A_246 : i32 to index
        %swap3A_260 = arith.index_cast %multiple_of3A_163 : i32 to index
        %swap3A_261 = tpu.vector_load %arg17[%swap3A_259, %swap3A_260] {strides = array<i32>} : memref<16x768xf32, #tpu.memory_space<vmem>>, vector<1x16xf32>,
        %swap3A_262 = vector.shape_cast %swap3A_261 : vector<1x16xf32> to vector<16xf32>
        %swap3A_263 = vector.shape_cast %add3A_258 : vector<16xf32> to vector<1x16xf32>
        tpu.vector_store %arg17[%swap3A_259, %swap3A_260], %swap3A_263 {add = true, strides = array<i32>} : memref<16x768xf32, #tpu.memory_space<vmem>>, vector<1x16xf32>,
        %add3A_264 = arith.constant 5 : i32
        %add3A_265 = arith.addi %mul3A_103, %add3A_264 : i32
        %get3A_266 = arith.index_cast %add3A_265 : i32 to index
        %get3A_267 = arith.index_cast %multiple_of3A_163 : i32 to index
        %get3A_268 = tpu.vector_load %arg20[%get3A_266, %get3A_267] {strides = array<i32>} : memref<16x768xf32, #tpu.memory_space<vmem>>, vector<1x16xf32>,
        %get3A_269 = vector.shape_cast %get3A_268 : vector<1x16xf32> to vector<16xf32>
        %get3A_270 = arith.index_cast %add3A_265 : i32 to index
        %get3A_271 = arith.index_cast %multiple_of3A_163 : i32 to index
        %get3A_272 = tpu.vector_load %arg23[%get3A_270, %get3A_271] {strides = array<i32>} : memref<16x768xf32, #tpu.memory_space<vmem>>, vector<1x16xf32>,
        %get3A_273 = vector.shape_cast %get3A_272 : vector<1x16xf32> to vector<16xf32>
        %add3A_274 = arith.addf %get3A_269, %get3A_273 : vector<16xf32>
        %mul3A_275 = arith.mulf %get3A_138, %get3A_166 : vector<16xf32>
        %add3A_276 = arith.addf %add3A_274, %mul3A_275 : vector<16xf32>
        %add3A_277 = arith.addf %add3A_276, %get3A_169 : vector<16xf32>
        %swap3A_278 = arith.index_cast %add3A_265 : i32 to index
        %swap3A_279 = arith.index_cast %multiple_of3A_163 : i32 to index
        %swap3A_280 = tpu.vector_load %arg17[%swap3A_278, %swap3A_279] {strides = array<i32>} : memref<16x768xf32, #tpu.memory_space<vmem>>, vector<1x16xf32>,
        %swap3A_281 = vector.shape_cast %swap3A_280 : vector<1x16xf32> to vector<16xf32>
        %swap3A_282 = vector.shape_cast %add3A_277 : vector<16xf32> to vector<1x16xf32>
        tpu.vector_store %arg17[%swap3A_278, %swap3A_279], %swap3A_282 {add = true, strides = array<i32>} : memref<16x768xf32, #tpu.memory_space<vmem>>, vector<1x16xf32>,
        %add3A_283 = arith.constant 6 : i32
        %add3A_284 = arith.addi %mul3A_103, %add3A_283 : i32
        %get3A_285 = arith.index_cast %add3A_284 : i32 to index
        %get3A_286 = arith.index_cast %multiple_of3A_163 : i32 to index
        %get3A_287 = tpu.vector_load %arg20[%get3A_285, %get3A_286] {strides = array<i32>} : memref<16x768xf32, #tpu.memory_space<vmem>>, vector<1x16xf32>,
        %get3A_288 = vector.shape_cast %get3A_287 : vector<1x16xf32> to vector<16xf32>
        %get3A_289 = arith.index_cast %add3A_284 : i32 to index
        %get3A_290 = arith.index_cast %multiple_of3A_163 : i32 to index
        %get3A_291 = tpu.vector_load %arg23[%get3A_289, %get3A_290] {strides = array<i32>} : memref<16x768xf32, #tpu.memory_space<vmem>>, vector<1x16xf32>,
        %get3A_292 = vector.shape_cast %get3A_291 : vector<1x16xf32> to vector<16xf32>
        %add3A_293 = arith.addf %get3A_288, %get3A_292 : vector<16xf32>
        %mul3A_294 = arith.mulf %get3A_144, %get3A_166 : vector<16xf32>
        %add3A_295 = arith.addf %add3A_293, %mul3A_294 : vector<16xf32>
        %add3A_296 = arith.addf %add3A_295, %get3A_169 : vector<16xf32>
        %swap3A_297 = arith.index_cast %add3A_284 : i32 to index
        %swap3A_298 = arith.index_cast %multiple_of3A_163 : i32 to index
        %swap3A_299 = tpu.vector_load %arg17[%swap3A_297, %swap3A_298] {strides = array<i32>} : memref<16x768xf32, #tpu.memory_space<vmem>>, vector<1x16xf32>,
        %swap3A_300 = vector.shape_cast %swap3A_299 : vector<1x16xf32> to vector<16xf32>
        %swap3A_301 = vector.shape_cast %add3A_296 : vector<16xf32> to vector<1x16xf32>
        tpu.vector_store %arg17[%swap3A_297, %swap3A_298], %swap3A_301 {add = true, strides = array<i32>} : memref<16x768xf32, #tpu.memory_space<vmem>>, vector<1x16xf32>,
        %add3A_302 = arith.constant 7 : i32
        %add3A_303 = arith.addi %mul3A_103, %add3A_302 : i32
        %get3A_304 = arith.index_cast %add3A_303 : i32 to index
        %get3A_305 = arith.index_cast %multiple_of3A_163 : i32 to index
        %get3A_306 = tpu.vector_load %arg20[%get3A_304, %get3A_305] {strides = array<i32>} : memref<16x768xf32, #tpu.memory_space<vmem>>, vector<1x16xf32>,
        %get3A_307 = vector.shape_cast %get3A_306 : vector<1x16xf32> to vector<16xf32>
        %get3A_308 = arith.index_cast %add3A_303 : i32 to index
        %get3A_309 = arith.index_cast %multiple_of3A_163 : i32 to index
        %get3A_310 = tpu.vector_load %arg23[%get3A_308, %get3A_309] {strides = array<i32>} : memref<16x768xf32, #tpu.memory_space<vmem>>, vector<1x16xf32>,
        %get3A_311 = vector.shape_cast %get3A_310 : vector<1x16xf32> to vector<16xf32>
        %add3A_312 = arith.addf %get3A_307, %get3A_311 : vector<16xf32>
        %mul3A_313 = arith.mulf %get3A_150, %get3A_166 : vector<16xf32>
        %add3A_314 = arith.addf %add3A_312, %mul3A_313 : vector<16xf32>
        %add3A_315 = arith.addf %add3A_314, %get3A_169 : vector<16xf32>
        %swap3A_316 = arith.index_cast %add3A_303 : i32 to index
        %swap3A_317 = arith.index_cast %multiple_of3A_163 : i32 to index
        %swap3A_318 = tpu.vector_load %arg17[%swap3A_316, %swap3A_317] {strides = array<i32>} : memref<16x768xf32, #tpu.memory_space<vmem>>, vector<1x16xf32>,
        %swap3A_319 = vector.shape_cast %swap3A_318 : vector<1x16xf32> to vector<16xf32>
        %swap3A_320 = vector.shape_cast %add3A_315 : vector<16xf32> to vector<1x16xf32>
        tpu.vector_store %arg17[%swap3A_316, %swap3A_317], %swap3A_320 {add = true, strides = array<i32>} : memref<16x768xf32, #tpu.memory_space<vmem>>, vector<1x16xf32>,
        %scan3A_321 = arith.constant 0 : i32
        scf.yield %scan3A_321 : i32
      }
      %scan3A_157 = arith.constant 48 : i32
      %scan3A_158 = arith.constant 0 : i32
      scf.yield %scan3A_158 : i32
    }
    %scan3A_75 = arith.constant 2 : i32
    %add3A_76 = arith.constant 1008 : i32
    %add3A_77 = arith.addi %mul3A_2, %add3A_76 : i32
    %dma_start3A_78 = arith.constant 0 : i32
    %dma_start3A_79 = tpu.memref_slice %arg11[%add3A_77, %dma_start3A_78] : memref<32768x768xf32, #tpu.memory_space<hbm>> -> memref<16x768xf32, #tpu.memory_space<hbm>>
    %dma_start3A_80 = arith.constant 0 : i32
    %dma_start3A_81 = tpu.memref_slice %arg11[%add3A_77, %dma_start3A_80] : memref<32768x768xf32, #tpu.memory_space<hbm>> -> memref<16x768xf32, #tpu.memory_space<hbm>>
    tpu.enqueue_dma source(%arg17 : memref<16x768xf32, #tpu.memory_space<vmem>>) target(%dma_start3A_81 : memref<16x768xf32, #tpu.memory_space<hbm>>) target_semaphore(%arg32 : memref<!tpu.dma_semaphore, #tpu.memory_space<semaphore_mem>>)
    %dma_wait3A_82 = arith.constant 0 : i32
    %dma_wait3A_83 = arith.constant 0 : i32
    %dma_wait3A_84 = tpu.memref_slice %arg6[%dma_wait3A_82, %dma_wait3A_83] : memref<100000x768xf32, #tpu.memory_space<hbm>> -> memref<16x768xf32, #tpu.memory_space<hbm>>
    %dma_wait3A_85 = arith.constant 0 : i32
    %dma_wait3A_86 = arith.constant 0 : i32
    %dma_wait3A_87 = tpu.memref_slice %arg6[%dma_wait3A_85, %dma_wait3A_86] : memref<100000x768xf32, #tpu.memory_space<hbm>> -> memref<16x768xf32, #tpu.memory_space<hbm>>
    tpu.wait_dma2 semaphore(%arg32 : memref<!tpu.dma_semaphore, #tpu.memory_space<semaphore_mem>>) src(%dma_wait3A_87 : memref<16x768xf32, #tpu.memory_space<hbm>>) dst(%arg17 : memref<16x768xf32, #tpu.memory_space<vmem>>)
    %dma_wait3A_88 = arith.constant 0 : i32
    %dma_wait3A_89 = arith.constant 0 : i32
    %dma_wait3A_90 = tpu.memref_slice %arg6[%dma_wait3A_88, %dma_wait3A_89] : memref<100000x768xf32, #tpu.memory_space<hbm>> -> memref<16x768xf32, #tpu.memory_space<hbm>>
    %dma_wait3A_91 = arith.constant 0 : i32
    %dma_wait3A_92 = arith.constant 0 : i32
    %dma_wait3A_93 = tpu.memref_slice %arg6[%dma_wait3A_91, %dma_wait3A_92] : memref<100000x768xf32, #tpu.memory_space<hbm>> -> memref<16x768xf32, #tpu.memory_space<hbm>>
    tpu.wait_dma2 semaphore(%arg33 : memref<!tpu.dma_semaphore, #tpu.memory_space<semaphore_mem>>) src(%dma_wait3A_93 : memref<16x768xf32, #tpu.memory_space<hbm>>) dst(%arg18 : memref<16x768xf32, #tpu.memory_space<vmem>>)
    %dma_wait3A_94 = arith.constant 0 : i32
    %dma_wait3A_95 = arith.constant 0 : i32
    %dma_wait3A_96 = tpu.memref_slice %arg6[%dma_wait3A_94, %dma_wait3A_95] : memref<100000x768xf32, #tpu.memory_space<hbm>> -> memref<16x768xf32, #tpu.memory_space<hbm>>
    %dma_wait3A_97 = arith.constant 0 : i32
    %dma_wait3A_98 = arith.constant 0 : i32
    %dma_wait3A_99 = tpu.memref_slice %arg6[%dma_wait3A_97, %dma_wait3A_98] : memref<100000x768xf32, #tpu.memory_space<hbm>> -> memref<16x768xf32, #tpu.memory_space<hbm>>
    tpu.wait_dma2 semaphore(%arg34 : memref<!tpu.dma_semaphore, #tpu.memory_space<semaphore_mem>>) src(%dma_wait3A_99 : memref<16x768xf32, #tpu.memory_space<hbm>>) dst(%arg19 : memref<16x768xf32, #tpu.memory_space<vmem>>)
    return
  }
}

</mosaic_0001>

<sc_bundles>
// kernel: _emb_call.3.cloned.1.call-start
scs
__scs_entry_jumppad:
0x0: {  	(pc) =	sbr.rel $0x88, $3  }
0x1: {  	(tag) =	ssettag $0x0;
	lr =	simm.s32 $0x1  }
0x2: {  	[smem:$0x3F98] =	sst lr;
	_ =	strace $0xD0000000  }
0x3: {  	_ = 	snop  }
0x4: {  	_ = 	snop  }
0x5: {  	_ = 	snop  }
0x6: {  	_ = 	snop  }
0x7: {  	_ = 	snop  }
__scs_overlays_trampoline_lowered:
0x8: {  	[smem:$0x3FA7] =	sst s0  }
0x9: {  	[smem:$0x3FA8] =	sst s1  }
0xa: {  	[smem:$0x3FA9] =	sst s2  }
0xb: {  	[smem:$0x3FAA] =	sst s3  }
0xc: {  	[smem:$0x3FAB] =	sst s4  }
0xd: {  	[smem:$0x3FAC] =	sst s5  }
0xe: {  	[smem:$0x3FAD] =	sst s6  }
0xf: {  	[smem:$0x3FAE] =	sst s7  }
0x10: {  	[smem:$0x3FAF] =	sst s8  }
0x11: {  	[smem:$0x3FB0] =	sst s9;
	s0 =	simm.s32 @!p0 $0x0  }
0x12: {  	s1 =	sld [smem:$0x3F96];
	s0 =	simm.s32 @p0 $0x1  }
0x13: {  	[smem:$0x3FB1] =	sst s0;
	s0 =	simm.s32 @!p1 $0x0  }
0x14: {  	s2 =	sld [smem:$0x3F95];
	s0 =	simm.s32 @p1 $0x1  }
0x15: {  	[smem:$0x3FB2] =	sst s0;
	s0 =	simm.s32 @!p2 $0x0  }
0x16: {  	s3 =	sld [smem:$0x3FDB];
	s0 =	simm.s32 @p2 $0x1  }
0x17: {  	s4 =	simm.s32 $0x1BF5;
	[smem:$0x3FB4] =	sst s0  }
0x18: {  	s0 =	sld [smem:$0x3F97];
	_ =	swait.ge [sflag:s4], $0x0  }
0x19: {  	s7 =	sld [smem:$0x3F98]  }
0x1a: {  	s8 =	sadd.s32 $0xFFFFE003, lr  }
0x1b: {  	s9 =	sadd.s32 $0xFFFFFEF7, lr;
	s5 =	simm.s32 $0xFFFFFFFF;
	p2 =	slt.u32 s8, $0xFFFFF086  }
0x1c: {  	p1 =	slt.u32 s9, $0xF7A;
	s5 =	simm.s32 @!p2 $0x0  }
0x1d: {  	s5 =	simm.s32 @p1 $0x1;
	p0 =	seq.s32 s7, s2  }
0x1e: {  	s7 =	smul.u32 @!p0 $0xF7A, s2;
	p2 =	seq.s32 @!p0 s5, $0x0  }
0x1f: {  	s9 =	smul.u32 $0xF7A, s1;
	s8 =	simm.s32 @!p0 $0x1BF5;
	p2 =	por !p2, p0  }
0x20: {  	[sflag:s8] =	ssyncset.s32 @!p0 $0xFFFFF086;
	s6 =	sadd.s32 @!p0 s3, s7;
	s7 =	simm.s32 @!p0 $0x108  }
0x21: {  	s3 =	sadd.s32 s3, s9;
	s6 =	sadd.s32 @!p0 $0x88, s6;
	s7 =	simm.s32 @p2 $0x1082  }
0x22: {  	[simem:s7], [sflag:s8] =	dma.local @!p0 [hbm:s6], $0xF7A  }
0x23: {  	s9 =	sor.u32 $0xD0000000, s2;
	s6 =	simm.s32 $0x108;
	_ =	swait.ge @!p0 [sflag:s8], $0x0  }
0x24: {  	s3 =	sadd.s32 $0x88, s3;
	s6 =	simm.s32 @!p1 $0x1082;
	[sflag:s4] =	ssyncset.s32 $0xFFFFF086  }
0x25: {  	[simem:s6], [sflag:s4] =	dma.local [hbm:s3], $0xF7A  }
0x26: {  	[smem:$0x3F98] =	sst s1;
	(tag) =	ssettag s2;
	_ =	strace s9  }
0x27: {  	s1 =	sld [smem:$0x3FA8]  }
0x28: {  	s2 =	sld [smem:$0x3FA9]  }
0x29: {  	s4 =	sld [smem:$0x3FAB]  }
0x2a: {  	p0 =	seq.s32 s5, $0x0;
	s5 =	sld [smem:$0x3FAC]  }
0x2b: {  	s6 =	sld [smem:$0x3FAD]  }
0x2c: {  	s7 =	sld [smem:$0x3FAE]  }
0x2d: {  	s3 =	simm.s32 $0x108;
	s8 =	sld [smem:$0x3FAF]  }
0x2e: {  	s3 =	simm.s32 @!p0 $0x1082;
	s9 =	sld [smem:$0x3FB0]  }
0x2f: {  	lr =	sadd.s32 s0, s3;
	s0 =	sld [smem:$0x3FA7]  }
0x30: {  	s3 =	sld [smem:$0x3FAA]  }
0x31: {  	[smem:$0x3FB3] =	sst s10  }
0x32: {  	s10 =	sld [smem:$0x3FB1];
	_ =	sdelay $0x3  }
0x33: {  	p0 =	seq.s32 s10, $0x1;
	s10 =	sld [smem:$0x3FB3];
	_ =	sdelay $0x3  }
0x34: {  	[smem:$0x3FB3] =	sst s10  }
0x35: {  	s10 =	sld [smem:$0x3FB2];
	_ =	sdelay $0x3  }
0x36: {  	p1 =	seq.s32 s10, $0x1;
	s10 =	sld [smem:$0x3FB3];
	_ =	sdelay $0x3  }
0x37: {  	[smem:$0x3FB3] =	sst s10  }
0x38: {  	s10 =	sld [smem:$0x3FB4]  }
0x39: {  	_ = 	snop;
	(pc) =	sbr.ind lr, $3  }
0x3a: {  	_ = 	snop  }
0x3b: {  	_ = 	snop  }
0x3c: {  	p2 =	seq.s32 s10, $0x1;
	s10 =	sld [smem:$0x3FB3]  }
0x3d: {  	_ =	shalt  }
0x3e: {  	_ =	shalt  }
0x3f: {  	_ =	shalt  }
0x40: {  	_ =	shalt  }
0x41: {  	_ =	shalt  }
0x42: {  	_ =	shalt  }
0x43: {  	_ =	shalt  }
0x44: {  	_ =	shalt  }
0x45: {  	_ =	shalt  }
0x46: {  	_ =	shalt  }
0x47: {  	_ =	shalt  }
0x48: {  	_ =	shalt  }
0x49: {  	_ =	shalt  }
0x4a: {  	_ =	shalt  }
0x4b: {  	_ =	shalt  }
0x4c: {  	_ =	shalt  }
0x4d: {  	_ =	shalt  }
0x4e: {  	_ =	shalt  }
0x4f: {  	_ =	shalt  }
0x50: {  	_ =	shalt  }
0x51: {  	_ =	shalt  }
0x52: {  	_ =	shalt  }
0x53: {  	_ =	shalt  }
0x54: {  	_ =	shalt  }
0x55: {  	_ =	shalt  }
0x56: {  	_ =	shalt  }
0x57: {  	_ =	shalt  }
0x58: {  	_ =	shalt  }
0x59: {  	_ =	shalt  }
0x5a: {  	_ =	shalt  }
0x5b: {  	_ =	shalt  }
0x5c: {  	_ =	shalt  }
0x5d: {  	_ =	shalt  }
0x5e: {  	_ =	shalt  }
0x5f: {  	_ =	shalt  }
0x60: {  	_ =	shalt  }
0x61: {  	_ =	shalt  }
0x62: {  	_ =	shalt  }
0x63: {  	_ =	shalt  }
0x64: {  	_ =	shalt  }
0x65: {  	_ =	shalt  }
0x66: {  	_ =	shalt  }
0x67: {  	_ =	shalt  }
0x68: {  	_ =	shalt  }
0x69: {  	_ =	shalt  }
0x6a: {  	_ =	shalt  }
0x6b: {  	_ =	shalt  }
0x6c: {  	_ =	shalt  }
0x6d: {  	_ =	shalt  }
0x6e: {  	_ =	shalt  }
0x6f: {  	_ =	shalt  }
0x70: {  	_ =	shalt  }
0x71: {  	_ =	shalt  }
0x72: {  	_ =	shalt  }
0x73: {  	_ =	shalt  }
0x74: {  	_ =	shalt  }
0x75: {  	_ =	shalt  }
0x76: {  	_ =	shalt  }
0x77: {  	_ =	shalt  }
0x78: {  	_ =	shalt  }
0x79: {  	_ =	shalt  }
0x7a: {  	_ =	shalt  }
0x7b: {  	_ =	shalt  }
0x7c: {  	_ =	shalt  }
0x7d: {  	_ =	shalt  }
0x7e: {  	_ =	shalt  }
0x7f: {  	_ =	shalt  }
0x80: {  	_ =	shalt  }
0x81: {  	_ =	shalt  }
0x82: {  	_ =	shalt  }
0x83: {  	_ =	shalt  }
0x84: {  	_ =	shalt  }
0x85: {  	_ =	shalt  }
0x86: {  	_ =	shalt  }
0x87: {  	_ =	shalt  }
.Lfunc_end0:
.L_simem_size_0:
called_computation_lowered:
.L_overlay_start_0:
0x88: {  	s2 =	sld [smem:$0x3FD9]  }
0x89: {  	s3 =	sld [smem:$0x3FFE];
	_ =	sdelay $0x1  }
0x8a: {  	s1 =	srdreg.scid  }
0x8b: {  	s0 =	sand.u32 $0x1, s1  }
0x8c: {  	s17 =	sshll.u32 s0, $0xA;
	s2 =	sadd.s32 s3, s2  }
0x8d: {  	s2 =	sadd.s32 s2, s17  }
0x8e: {  	[smem:$0x3FBF] =	sst s2  }
0x8f: {  	_ = 	snop  }
0x90: {  	s2 =	sld [smem:$0x3FC9]  }
0x91: {  	s18 =	sld [smem:$0x3FC8]  }
0x92: {  	s4 =	sld [smem:$0x3FC7]  }
0x93: {  	s5 =	sld [smem:$0x3FC5]  }
0x94: {  	s6 =	sld [smem:$0x3FC4]  }
0x95: {  	s7 =	sld [smem:$0x3FC3]  }
0x96: {  	s8 =	sld [smem:$0x3FC2]  }
0x97: {  	s9 =	sld [smem:$0x3FC1]  }
0x98: {  	s10 =	sld [smem:$0x3FD0];
	(tm) =	ssettm $0x1  }
0x99: {  	s11 =	sld [smem:$0x3FFB];
	_ =	sdelay $0x3  }
0x9a: {  	_ =	strace s11  }
0x9b: {  	s11 =	sld [smem:$0x3FFC];
	_ =	sdelay $0x3  }
0x9c: {  	_ =	strace s11  }
0x9d: {  	s11 =	sld [smem:$0x3FFD];
	_ =	sdelay $0x3  }
0x9e: {  	_ =	strace s11  }
0x9f: {  	_ =	strace $0x8FFFFFFF  }
0xa0: {  	s19 =	sld [smem:$0x3FDB];
	_ =	sdelay $0x1  }
0xa1: {  	s12 =	simm.s32 $_scs_section_size  }
0xa2: {  	s13 =	simm.s32 $_size__tile_overlayer_lowered;
	s14 =	simm.s32 $_tile_overlayer_lowered  }
0xa3: {  	s22 =	simm.s32 $0x1BFF;
	s21 =	sshll.u32 s14, $0x1;
	s11 =	sadd.s32 s12, s19  }
0xa4: {  	s15 =	simm.s32 $0x0;
	s20 =	sshll.u32 s13, $0x1;
	s13 =	sadd.s32 s21, s11  }
0xa5: {  	[timem:s15], [sflag:s22] =	dma.local [hbm:s13], s20  }
0xa6: {  	_ =	swait.ge [sflag:s22], s20  }
0xa7: {  	s12 =	ssub.s32 $0x0, s20;
	[sflag:s22] =	ssyncset.done $0x0  }
0xa8: {  	[sflag:s22] =	ssyncadd.s32 s12;
	_ =	sdelay $0x1  }
0xa9: {  	s23 =	simm.s32 $0x1B8B  }
0xaa: {  	_ =	swait.ge [sflag:s23], $0x1  }
0xab: {  	[sflag:s23] =	ssyncset.done $0x0  }
0xac: {  	s25 =	simm.s32 $0x1B8E;
	s24 =	sld [smem:$0x3FFE];
	[sflag:s23] =	ssyncadd.s32 $0xFFFFFFFF  }
0xad: {  	s26 =	simm.s32 $execute0_lowered;
	[smem:$0x3FD2] =	sst s25  }
0xae: {  	s13 =	sshll.u32 s26, $0x1;
	_ =	strace $0x80000046;
	[dreg:$0x1] =	wrdreg $0xFFFFFFFF  }
0xaf: {  	s28 =	simm.s32 $_size_execute0_lowered;
	s11 =	sadd.s32 s11, s13;
	[dreg:$0x0] =	wrdreg $0x0  }
0xb0: {  	s13 =	sshll.u32 s28, $0x1;
	[dreg:$0x2] =	wrdreg s11  }
0xb1: {  	[dreg:$0x3] =	wrdreg s13  }
0xb2: {  	[dreg:$0x4] =	wrdreg $0xC0  }
0xb3: {  	_ =	task [dreg:s15], $0x5FFFF  }
0xb4: {  	[dreg:$0x1] =	wrdreg $0xFFFFFFFF  }
0xb5: {  	[dreg:$0x0] =	wrdreg $0x60  }
0xb6: {  	[dreg:$0x2] =	wrdreg s2  }
0xb7: {  	[dreg:$0x3] =	wrdreg s18  }
0xb8: {  	[dreg:$0x4] =	wrdreg s4  }
0xb9: {  	[dreg:$0x5] =	wrdreg s24  }
0xba: {  	[dreg:$0x6] =	wrdreg s5  }
0xbb: {  	[dreg:$0x7] =	wrdreg s6  }
0xbc: {  	[dreg:$0x8] =	wrdreg s7  }
0xbd: {  	[dreg:$0x9] =	wrdreg s8  }
0xbe: {  	[dreg:$0xa] =	wrdreg s9  }
0xbf: {  	[dreg:$0xb] =	wrdreg s10  }
0xc0: {  	[dreg:$0xc] =	wrdreg $0x9  }
0xc1: {  	_ =	task.clear_ibuf [dreg:s15], $0xDFFFF;
	_ =	strace $0x90000046  }
0xc2: {  	s29 =	simm.s32 $0x9;
	_ =	strace $0x80000048  }
0xc3: {  	_ =	swait.ge [sflag:s29], $0x1  }
0xc4: {  	[sflag:s29] =	ssyncadd.s32 $0xFFFFFFFF  }
0xc5: {  	_ =	strace $0x90000048  }
0xc6: {  	_ =	sfence  }
0xc7: {  	s30 =	sld [smem:$0x0];
	_ =	sdelay $0x2  }
0xc8: {  	s31 =	sshll.u32 s1, $0xD;
	s1 =	sshrl.u32 s1, $0x2  }
0xc9: {  	s3 =	sand.u32 $0x4000, s31;
	s1 =	sadd.s32 s1, s30  }
0xca: {  	s0 =	sor.u32 s3, s0;
	s1 =	sshll.u32 s1, $0x11  }
0xcb: {  	s0 =	sor.u32 s1, s0  }
0xcc: {  	s0 =	sadd.s32 $0x8F2B, s0  }
0xcd: {  	[sflag:s0] =	ssyncadd.remote.s32 $0x1  }
0xce: {  	_ =	sfence.sel $0xFFFF  }
0xcf: {  	[dreg:$0x0] =	wrdreg $0xFFFFFFFF;
	(pc) =	sbr.abs _section_cstart, $3  }
0xd0: {  	[dreg:$0x1] =	wrdreg $0xFFFFFFFF  }
0xd1: {  	_ =	task.clear_ibuf [dreg:s15], $0x2FFFF;
	_ =	strace $0x9FFFFFFF  }
0xd2: {  	(tm) =	ssettm $0x7FFFFFFF  }
0xd3: {  	_ =	shalt  }
tec
execute0_lowered:
.L_overlay_start_1:
0x0: {  	(tag) =	ssettag $0x1  }
0x1: {  	s0 =	rddreg [dreg:$0x0]  }
0x2: {  	s4 =	rddreg [dreg:$0x1]  }
0x3: {  	s5 =	rddreg [dreg:$0x2]  }
0x4: {  	s7 =	rddreg [dreg:$0x3]  }
0x5: {  	s1 =	rddreg [dreg:$0x4]  }
0x6: {  	s2 =	rddreg [dreg:$0x5]  }
0x7: {  	s3 =	rddreg [dreg:$0x6]  }
0x8: {  	s6 =	rddreg [dreg:$0x9];
	s8 =	simm.s32 $0x0;
	s9 =	srdreg.scid  }
0x9: {  	s10 =	stileid.u32;
	s31 =	simm.s32 $0x1200;
	s29 =	simm.s32 $0x7200  }
0xa: {  	s28 =	simm.s32 $0x3;
	[smem:$0x7FF] =	sst s8;
	s9 =	sand.u32 $0x1, s9  }
0xb: {  	s10 =	sshll.u32 s10, $0xB;
	s14 =	sadd.s32 $0x100, s1;
	s15 =	sadd.s32 $0x200, s1  }
0xc: {  	s16 =	sadd.s32 $0x100, s2;
	s17 =	sadd.s32 $0x200, s2;
	s18 =	sadd.s32 $0x100, s3  }
0xd: {  	s20 =	sadd.s32 $0x200, s3;
	s11 =	ssub.s32 $0x2, s9;
	s9 =	sshll.u32 s9, $0xA  }
0xe: {  	_ =	strace $0x80000047;
	s12 =	sshrl.u32 s11, $0x1;
	s9 =	sor.u32 s9, s10  }
0xf: {  	s10 =	sadd.s32 $0x400, s7;
	s21 =	sshrl.u32 s9, $0x3;
	s26 =	sor.u32 $0x10, s9  }
0x10: {  	s7 =	simm.s32 $0x0;
	s0 =	sadd.s32 s0, s21;
	[dreg:$0x10] =	wrdreg s26  }
0x11: {  	s25 =	sshll.u32 s9, $0x4;
	s22 =	sadd.s32 s4, s21;
	[dreg:$0xb] =	wrdreg s0  }
0x12: {  	s23 =	sadd.s32 s5, s21;
	s24 =	smul.u32 $0x1800, s21;
	[dreg:$0xc] =	wrdreg s22  }
0x13: {  	s19 =	ssub.s32 s11, s12;
	s4 =	sadd.s32 s10, s25;
	[dreg:$0xd] =	wrdreg s23  }
0x14: {  	s30 =	smax.u32 s19, $0x1;
	[dreg:$0xe] =	wrdreg s4;
	s0 =	sshrl.u32 s24, $0x3  }
0x15: {  	v2 =	vlaneseq.u32;
	s4 =	sadd.s32 $0x100, s4;
	[dreg:$0x12] =	wrdreg s30;
	s0 =	sadd.s32 s6, s0  }
0x16: {  	vm0 =	vmmov $0xffff;
	v1 =	vshrl.u32 v2, $0x3;
	s11 =	simm.s32 $0x2;
	[dreg:$0xf] =	wrdreg s4;
	s0 =	sadd.s32 $0x17A00, s0  }
0x17: {  	v0 =	vand.u32 $0x7, v2;
	v2 =	vor.u32 $0x8, v2;
	v1 =	vmul.u32 $0x8, v1;
	s5 =	simm.s32 $0x1;
	s23 =	simm.s32 $0x4;
	[dreg:$0x11] =	wrdreg s0  }
.LBB2_1:
0x18: {  	[dreg:$0x13] =	wrdreg s7  }
0x19: {  	s0 =	rddreg [dreg:$0x7];
	s4 =	simm.s32 $0xC00;
	s30 =	simm.s32 $0x7  }
0x1a: {  	[tilespmem:s4], [sflag:$0x7] =	stream.linear.gather [hbm4b:s0+s8], $0x300, $0x38;
	[tilespmem:$0x1DA00] =	vst v63  }
0x1b: {  	_ =	swait.ge [sflag:s30], $0x300  }
0x1c: {  	[sflag:s30] =	ssyncset.done $0x0  }
0x1d: {  	[sflag:s30] =	ssyncadd.s32 $0xFFFFFD00  }
0x1e: {  	s13 =	simm.s32 $0xF00;
	s12 =	rddreg [dreg:$0x8]  }
0x1f: {  	[tilespmem:s13], [sflag:$0x7] =	stream.linear.gather [hbm4b:s12+s8], $0x300, $0x38;
	[tilespmem:$0x1DA00] =	vst v63  }
0x20: {  	_ =	swait.ge [sflag:s30], $0x300  }
0x21: {  	[sflag:s30] =	ssyncset.done $0x0  }
0x22: {  	s19 =	rddreg [dreg:$0xb];
	[sflag:s30] =	ssyncadd.s32 $0xFFFFFD00  }
0x23: {  	[tilespmem:s8], [sflag:$0x7] =	stream.linear.gather [hbm4b:s19+s8], $0x400, $0x38;
	[tilespmem:$0x1DA00] =	vst v63  }
0x24: {  	_ =	swait.ge [sflag:s30], $0x400  }
0x25: {  	[sflag:s30] =	ssyncset.done $0x0  }
0x26: {  	s22 =	simm.s32 $0x400;
	s21 =	rddreg [dreg:$0xc];
	[sflag:s30] =	ssyncadd.s32 $0xFFFFFC00  }
0x27: {  	[tilespmem:s22], [sflag:$0x7] =	stream.linear.gather [hbm4b:s21+s8], $0x400, $0x38;
	[tilespmem:$0x1DA00] =	vst v63  }
0x28: {  	_ =	swait.ge [sflag:s30], $0x400  }
0x29: {  	[sflag:s30] =	ssyncset.done $0x0  }
0x2a: {  	s25 =	simm.s32 $0x800;
	s24 =	rddreg [dreg:$0xd];
	[sflag:s30] =	ssyncadd.s32 $0xFFFFFC00  }
0x2b: {  	[tilespmem:s25], [sflag:$0x7] =	stream.linear.gather [hbm4b:s24+s8], $0x400, $0x38;
	[tilespmem:$0x1DA00] =	vst v63  }
0x2c: {  	_ =	swait.ge [sflag:s30], $0x400  }
0x2d: {  	[sflag:s30] =	ssyncset.done $0x0  }
0x2e: {  	[sflag:s30] =	ssyncadd.s32 $0xFFFFFC00  }
0x2f: {  	v3 =	vld [tilespmem:$0x0];
	_ =	sdelay $0x4  }
0x30: {  	v4 =	vshrl.u32 v3, $0x3  }
0x31: {  	v4 =	vmul.u32 $0x30, v4  }
0x32: {  	v3 =	vand.u32 $0x7, v3  }
0x33: {  	v3 =	vor.u32 v3, v4  }
0x34: {  	v4 =	vperm.xlane v3, v0;
	_ =	sdelay $0x1  }
0x35: {  	v4 =	vadd.s32 v1, v4;
	_ =	sdelay $0x3  }
0x36: {  	v3 =	vperm.xlane v3, v2  }
0x37: {  	[tilespmem:s31], [sflag:$0x1] =	stream.indirect_vreg.gather [hbm4b:s1+s8], $0x80, v4, vm0, $0xb8;
	[tilespmem:$0x1DA00] =	vst v63  }
0x38: {  	s26 =	simm.s32 $0x1A00;
	v3 =	vadd.s32 v1, v3  }
0x39: {  	[tilespmem:s26], [sflag:$0x1] =	stream.indirect_vreg.gather [hbm4b:s14+s8], $0x80, v4, vm0, $0xb8;
	[tilespmem:$0x1DA00] =	vst v63  }
0x3a: {  	s30 =	simm.s32 $0x2200  }
0x3b: {  	[tilespmem:s30], [sflag:$0x1] =	stream.indirect_vreg.gather [hbm4b:s15+s8], $0x80, v4, vm0, $0xb8;
	[tilespmem:$0x1DA00] =	vst v63  }
0x3c: {  	s31 =	simm.s32 $0x2A00  }
0x3d: {  	[tilespmem:s31], [sflag:$0x1] =	stream.indirect_vreg.gather [hbm4b:s1+s8], $0x80, v3, vm0, $0xb8;
	[tilespmem:$0x1DA00] =	vst v63  }
0x3e: {  	s4 =	simm.s32 $0x3200  }
0x3f: {  	[tilespmem:s4], [sflag:$0x1] =	stream.indirect_vreg.gather [hbm4b:s14+s8], $0x80, v3, vm0, $0xb8;
	[tilespmem:$0x1DA00] =	vst v63  }
0x40: {  	s7 =	simm.s32 $0x3A00  }
0x41: {  	[tilespmem:s7], [sflag:$0x1] =	stream.indirect_vreg.gather [hbm4b:s15+s8], $0x80, v3, vm0, $0xb8;
	[tilespmem:$0x1DA00] =	vst v63  }
0x42: {  	v3 =	vld [tilespmem:$0x400];
	_ =	sdelay $0x4  }
0x43: {  	v59 =	vshrl.u32 v3, $0x3  }
0x44: {  	v4 =	vmul.u32 $0x30, v59  }
0x45: {  	v3 =	vand.u32 $0x7, v3  }
0x46: {  	v3 =	vor.u32 v3, v4  }
0x47: {  	v4 =	vperm.xlane v3, v0;
	_ =	sdelay $0x1  }
0x48: {  	v4 =	vadd.s32 v1, v4;
	_ =	sdelay $0x3  }
0x49: {  	s12 =	simm.s32 $0xA200;
	v3 =	vperm.xlane v3, v2  }
0x4a: {  	[tilespmem:s12], [sflag:$0x1] =	stream.indirect_vreg.gather [hbm4b:s2+s8], $0x80, v4, vm0, $0xb8;
	[tilespmem:$0x1DA00] =	vst v63  }
0x4b: {  	s13 =	simm.s32 $0xAA00;
	v3 =	vadd.s32 v1, v3  }
0x4c: {  	[tilespmem:s13], [sflag:$0x1] =	stream.indirect_vreg.gather [hbm4b:s16+s8], $0x80, v4, vm0, $0xb8;
	[tilespmem:$0x1DA00] =	vst v63  }
0x4d: {  	s19 =	simm.s32 $0xB200  }
0x4e: {  	[tilespmem:s19], [sflag:$0x1] =	stream.indirect_vreg.gather [hbm4b:s17+s8], $0x80, v4, vm0, $0xb8;
	[tilespmem:$0x1DA00] =	vst v63  }
0x4f: {  	s21 =	simm.s32 $0xBA00  }
0x50: {  	[tilespmem:s21], [sflag:$0x1] =	stream.indirect_vreg.gather [hbm4b:s2+s8], $0x80, v3, vm0, $0xb8;
	[tilespmem:$0x1DA00] =	vst v63  }
0x51: {  	s22 =	simm.s32 $0xC200  }
0x52: {  	[tilespmem:s22], [sflag:$0x1] =	stream.indirect_vreg.gather [hbm4b:s16+s8], $0x80, v3, vm0, $0xb8;
	[tilespmem:$0x1DA00] =	vst v63  }
0x53: {  	s24 =	simm.s32 $0xCA00  }
0x54: {  	[tilespmem:s24], [sflag:$0x1] =	stream.indirect_vreg.gather [hbm4b:s17+s8], $0x80, v3, vm0, $0xb8;
	[tilespmem:$0x1DA00] =	vst v63  }
0x55: {  	v3 =	vld [tilespmem:$0x800];
	_ =	sdelay $0x4  }
0x56: {  	v60 =	vshrl.u32 v3, $0x3  }
0x57: {  	v4 =	vmul.u32 $0x30, v60  }
0x58: {  	v3 =	vand.u32 $0x7, v3  }
0x59: {  	v3 =	vor.u32 v3, v4  }
0x5a: {  	v4 =	vperm.xlane v3, v0;
	_ =	sdelay $0x1  }
0x5b: {  	v4 =	vadd.s32 v1, v4;
	_ =	sdelay $0x3  }
0x5c: {  	s25 =	simm.s32 $0x13200;
	v3 =	vperm.xlane v3, v2  }
0x5d: {  	[tilespmem:s25], [sflag:$0x1] =	stream.indirect_vreg.gather [hbm4b:s3+s8], $0x80, v4, vm0, $0xb8;
	[tilespmem:$0x1DA00] =	vst v63  }
0x5e: {  	s26 =	simm.s32 $0x13A00;
	v3 =	vadd.s32 v1, v3  }
0x5f: {  	[tilespmem:s26], [sflag:$0x1] =	stream.indirect_vreg.gather [hbm4b:s18+s8], $0x80, v4, vm0, $0xb8;
	[tilespmem:$0x1DA00] =	vst v63  }
0x60: {  	s30 =	simm.s32 $0x14200  }
0x61: {  	[tilespmem:s30], [sflag:$0x1] =	stream.indirect_vreg.gather [hbm4b:s20+s8], $0x80, v4, vm0, $0xb8;
	[tilespmem:$0x1DA00] =	vst v63  }
0x62: {  	s31 =	simm.s32 $0x14A00  }
0x63: {  	[tilespmem:s31], [sflag:$0x1] =	stream.indirect_vreg.gather [hbm4b:s3+s8], $0x80, v3, vm0, $0xb8;
	[tilespmem:$0x1DA00] =	vst v63  }
0x64: {  	s4 =	simm.s32 $0x15200  }
0x65: {  	[tilespmem:s4], [sflag:$0x1] =	stream.indirect_vreg.gather [hbm4b:s18+s8], $0x80, v3, vm0, $0xb8;
	[tilespmem:$0x1DA00] =	vst v63  }
0x66: {  	s7 =	simm.s32 $0x15A00  }
0x67: {  	[tilespmem:s7], [sflag:$0x1] =	stream.indirect_vreg.gather [hbm4b:s20+s8], $0x80, v3, vm0, $0xb8;
	[tilespmem:$0x1DA00] =	vst v63  }
0x68: {  	s12 =	rddreg [dreg:$0xe];
	s13 =	simm.s32 $0x1C200  }
0x69: {  	[tilespmem:s13], [sflag:$0x1] =	stream.linear.gather [hbm4b:s12+s8], $0x800, $0x38;
	[tilespmem:$0x1DA00] =	vst v63  }
0x6a: {  	v3 =	vld [tilespmem:$0x10];
	_ =	sdelay $0x4  }
0x6b: {  	v61 =	vshrl.u32 v3, $0x3  }
0x6c: {  	v4 =	vmul.u32 $0x30, v61  }
0x6d: {  	v3 =	vand.u32 $0x7, v3  }
0x6e: {  	v3 =	vor.u32 v3, v4  }
0x6f: {  	v4 =	vperm.xlane v3, v0;
	_ =	sdelay $0x1  }
0x70: {  	v4 =	vadd.s32 v1, v4;
	_ =	sdelay $0x3  }
0x71: {  	s19 =	simm.s32 $0x4200;
	v3 =	vperm.xlane v3, v2  }
0x72: {  	[tilespmem:s19], [sflag:$0x2] =	stream.indirect_vreg.gather [hbm4b:s1+s8], $0x80, v4, vm0, $0xb8;
	[tilespmem:$0x1DA00] =	vst v63  }
0x73: {  	s21 =	simm.s32 $0x4A00;
	v3 =	vadd.s32 v1, v3  }
0x74: {  	[tilespmem:s21], [sflag:$0x2] =	stream.indirect_vreg.gather [hbm4b:s14+s8], $0x80, v4, vm0, $0xb8;
	[tilespmem:$0x1DA00] =	vst v63  }
0x75: {  	s22 =	simm.s32 $0x5200  }
0x76: {  	[tilespmem:s22], [sflag:$0x2] =	stream.indirect_vreg.gather [hbm4b:s15+s8], $0x80, v4, vm0, $0xb8;
	[tilespmem:$0x1DA00] =	vst v63  }
0x77: {  	s24 =	simm.s32 $0x5A00  }
0x78: {  	[tilespmem:s24], [sflag:$0x2] =	stream.indirect_vreg.gather [hbm4b:s1+s8], $0x80, v3, vm0, $0xb8;
	[tilespmem:$0x1DA00] =	vst v63  }
0x79: {  	s25 =	simm.s32 $0x6200  }
0x7a: {  	[tilespmem:s25], [sflag:$0x2] =	stream.indirect_vreg.gather [hbm4b:s14+s8], $0x80, v3, vm0, $0xb8;
	[tilespmem:$0x1DA00] =	vst v63  }
0x7b: {  	s26 =	simm.s32 $0x6A00  }
0x7c: {  	[tilespmem:s26], [sflag:$0x2] =	stream.indirect_vreg.gather [hbm4b:s15+s8], $0x80, v3, vm0, $0xb8;
	[tilespmem:$0x1DA00] =	vst v63  }
0x7d: {  	v3 =	vld [tilespmem:$0x410];
	_ =	sdelay $0x4  }
0x7e: {  	v62 =	vshrl.u32 v3, $0x3  }
0x7f: {  	v4 =	vmul.u32 $0x30, v62  }
0x80: {  	v3 =	vand.u32 $0x7, v3  }
0x81: {  	v3 =	vor.u32 v3, v4  }
0x82: {  	v4 =	vperm.xlane v3, v0;
	_ =	sdelay $0x1  }
0x83: {  	v4 =	vadd.s32 v1, v4;
	_ =	sdelay $0x3  }
0x84: {  	s30 =	simm.s32 $0xD200;
	v3 =	vperm.xlane v3, v2  }
0x85: {  	[tilespmem:s30], [sflag:$0x2] =	stream.indirect_vreg.gather [hbm4b:s2+s8], $0x80, v4, vm0, $0xb8;
	[tilespmem:$0x1DA00] =	vst v63  }
0x86: {  	s31 =	simm.s32 $0xDA00;
	v3 =	vadd.s32 v1, v3  }
0x87: {  	[tilespmem:s31], [sflag:$0x2] =	stream.indirect_vreg.gather [hbm4b:s16+s8], $0x80, v4, vm0, $0xb8;
	[tilespmem:$0x1DA00] =	vst v63  }
0x88: {  	s4 =	simm.s32 $0xE200  }
0x89: {  	[tilespmem:s4], [sflag:$0x2] =	stream.indirect_vreg.gather [hbm4b:s17+s8], $0x80, v4, vm0, $0xb8;
	[tilespmem:$0x1DA00] =	vst v63  }
0x8a: {  	s7 =	simm.s32 $0xEA00  }
0x8b: {  	[tilespmem:s7], [sflag:$0x2] =	stream.indirect_vreg.gather [hbm4b:s2+s8], $0x80, v3, vm0, $0xb8;
	[tilespmem:$0x1DA00] =	vst v63  }
0x8c: {  	s12 =	simm.s32 $0xF200  }
0x8d: {  	[tilespmem:s12], [sflag:$0x2] =	stream.indirect_vreg.gather [hbm4b:s16+s8], $0x80, v3, vm0, $0xb8;
	[tilespmem:$0x1DA00] =	vst v63  }
0x8e: {  	s13 =	simm.s32 $0xFA00  }
0x8f: {  	[tilespmem:s13], [sflag:$0x2] =	stream.indirect_vreg.gather [hbm4b:s17+s8], $0x80, v3, vm0, $0xb8;
	[tilespmem:$0x1DA00] =	vst v63  }
0x90: {  	v3 =	vld [tilespmem:$0x810];
	_ =	sdelay $0x4  }
0x91: {  	v63 =	vshrl.u32 v3, $0x3  }
0x92: {  	v4 =	vmul.u32 $0x30, v63  }
0x93: {  	v3 =	vand.u32 $0x7, v3  }
0x94: {  	v3 =	vor.u32 v3, v4  }
0x95: {  	v4 =	vperm.xlane v3, v0;
	_ =	sdelay $0x1  }
0x96: {  	v4 =	vadd.s32 v1, v4;
	_ =	sdelay $0x3  }
0x97: {  	s19 =	simm.s32 $0x16200;
	v3 =	vperm.xlane v3, v2  }
0x98: {  	[tilespmem:s19], [sflag:$0x2] =	stream.indirect_vreg.gather [hbm4b:s3+s8], $0x80, v4, vm0, $0xb8;
	[tilespmem:$0x1DA00] =	vst v63  }
0x99: {  	s21 =	simm.s32 $0x16A00;
	v3 =	vadd.s32 v1, v3  }
0x9a: {  	[tilespmem:s21], [sflag:$0x2] =	stream.indirect_vreg.gather [hbm4b:s18+s8], $0x80, v4, vm0, $0xb8;
	[tilespmem:$0x1DA00] =	vst v63  }
0x9b: {  	s22 =	simm.s32 $0x17200  }
0x9c: {  	[tilespmem:s22], [sflag:$0x2] =	stream.indirect_vreg.gather [hbm4b:s20+s8], $0x80, v4, vm0, $0xb8;
	[tilespmem:$0x1DA00] =	vst v63  }
0x9d: {  	s24 =	simm.s32 $0x17A00  }
0x9e: {  	[tilespmem:s24], [sflag:$0x2] =	stream.indirect_vreg.gather [hbm4b:s3+s8], $0x80, v3, vm0, $0xb8;
	[tilespmem:$0x1DA00] =	vst v63  }
0x9f: {  	s25 =	simm.s32 $0x18200  }
0xa0: {  	[tilespmem:s25], [sflag:$0x2] =	stream.indirect_vreg.gather [hbm4b:s18+s8], $0x80, v3, vm0, $0xb8;
	[tilespmem:$0x1DA00] =	vst v63  }
0xa1: {  	s26 =	simm.s32 $0x18A00  }
0xa2: {  	[tilespmem:s26], [sflag:$0x2] =	stream.indirect_vreg.gather [hbm4b:s20+s8], $0x80, v3, vm0, $0xb8;
	[tilespmem:$0x1DA00] =	vst v63  }
0xa3: {  	s30 =	rddreg [dreg:$0xf];
	s31 =	simm.s32 $0x1CA00;
	s12 =	simm.s32 $0x0  }
0xa4: {  	[tilespmem:s31], [sflag:$0x2] =	stream.linear.gather [hbm4b:s30+s8], $0x800, $0x38;
	[tilespmem:$0x1DA00] =	vst v63  }
.LBB2_2:
0xa5: {  	_ =	swait.ge [sflag:s5], $0x3000  }
0xa6: {  	[sflag:s5] =	ssyncset.done $0x0  }
0xa7: {  	[sflag:s5] =	ssyncadd.s32 $0xFFFFD000  }
0xa8: {  	_ =	swait.ge [sflag:s5], $0x3000  }
0xa9: {  	[sflag:s5] =	ssyncset.done $0x0  }
0xaa: {  	[sflag:s5] =	ssyncadd.s32 $0xFFFFD000  }
0xab: {  	_ =	swait.ge [sflag:s5], $0x3000  }
0xac: {  	[sflag:s5] =	ssyncset.done $0x0  }
0xad: {  	[sflag:s5] =	ssyncadd.s32 $0xFFFFD000  }
0xae: {  	_ =	swait.ge [sflag:s5], $0x800  }
0xaf: {  	p0 =	seq.s32 s12, $0x0;
	[sflag:s5] =	ssyncset.done $0x0  }
0xb0: {  	s0 =	simm.s32 @!p0 $0x6;
	[sflag:s5] =	ssyncadd.s32 $0xFFFFF800  }
0xb1: {  	_ =	swait.ge @!p0 [sflag:s0], $0x3000  }
0xb2: {  	s30 =	smul.u32 $0x30, s12;
	[sflag:s0] =	ssyncset.done @!p0 $0x0  }
0xb3: {  	[sflag:s0] =	ssyncadd.s32 @!p0 $0xFFFFD000  }
0xb4: {  	v3 =	vld [tilespmem:s30+$0x20];
	_ =	sdelay $0x4  }
0xb5: {  	v4 =	vshrl.u32 v3, $0x3  }
0xb6: {  	v4 =	vmul.u32 $0x30, v4  }
0xb7: {  	v3 =	vand.u32 $0x7, v3  }
0xb8: {  	v3 =	vor.u32 v3, v4  }
0xb9: {  	v4 =	vperm.xlane v3, v0;
	_ =	sdelay $0x1  }
0xba: {  	v4 =	vadd.s32 v1, v4;
	_ =	sdelay $0x3  }
0xbb: {  	s26 =	simm.s32 $0x0;
	v3 =	vperm.xlane v3, v2  }
0xbc: {  	[tilespmem:s29], [sflag:$0x3] =	stream.indirect_vreg.gather [hbm4b:s1+s26], $0x80, v4, vm0, $0xb8;
	[tilespmem:$0x1DA00] =	vst v63  }
0xbd: {  	s13 =	simm.s32 $0x7A00;
	v3 =	vadd.s32 v1, v3  }
0xbe: {  	[tilespmem:s13], [sflag:$0x3] =	stream.indirect_vreg.gather [hbm4b:s14+s26], $0x80, v4, vm0, $0xb8;
	[tilespmem:$0x1DA00] =	vst v63  }
0xbf: {  	s19 =	simm.s32 $0x8200  }
0xc0: {  	[tilespmem:s19], [sflag:$0x3] =	stream.indirect_vreg.gather [hbm4b:s15+s26], $0x80, v4, vm0, $0xb8;
	[tilespmem:$0x1DA00] =	vst v63  }
0xc1: {  	s21 =	simm.s32 $0x8A00  }
0xc2: {  	[tilespmem:s21], [sflag:$0x3] =	stream.indirect_vreg.gather [hbm4b:s1+s26], $0x80, v3, vm0, $0xb8;
	[tilespmem:$0x1DA00] =	vst v63  }
0xc3: {  	s22 =	simm.s32 $0x9200  }
0xc4: {  	[tilespmem:s22], [sflag:$0x3] =	stream.indirect_vreg.gather [hbm4b:s14+s26], $0x80, v3, vm0, $0xb8;
	[tilespmem:$0x1DA00] =	vst v63  }
0xc5: {  	s24 =	simm.s32 $0x9A00  }
0xc6: {  	[tilespmem:s24], [sflag:$0x3] =	stream.indirect_vreg.gather [hbm4b:s15+s26], $0x80, v3, vm0, $0xb8;
	[tilespmem:$0x1DA00] =	vst v63  }
0xc7: {  	v3 =	vld [tilespmem:s30+$0x420];
	_ =	sdelay $0x4  }
0xc8: {  	v62 =	vshrl.u32 v3, $0x3  }
0xc9: {  	v4 =	vmul.u32 $0x30, v62  }
0xca: {  	v3 =	vand.u32 $0x7, v3  }
0xcb: {  	v3 =	vor.u32 v3, v4  }
0xcc: {  	v4 =	vperm.xlane v3, v0;
	_ =	sdelay $0x1  }
0xcd: {  	v4 =	vadd.s32 v1, v4;
	_ =	sdelay $0x3  }
0xce: {  	s25 =	simm.s32 $0x10200;
	v3 =	vperm.xlane v3, v2  }
0xcf: {  	[tilespmem:s25], [sflag:$0x3] =	stream.indirect_vreg.gather [hbm4b:s2+s26], $0x80, v4, vm0, $0xb8;
	[tilespmem:$0x1DA00] =	vst v63  }
0xd0: {  	s29 =	simm.s32 $0x10A00;
	v3 =	vadd.s32 v1, v3  }
0xd1: {  	[tilespmem:s29], [sflag:$0x3] =	stream.indirect_vreg.gather [hbm4b:s16+s26], $0x80, v4, vm0, $0xb8;
	[tilespmem:$0x1DA00] =	vst v63  }
0xd2: {  	s31 =	simm.s32 $0x11200  }
0xd3: {  	[tilespmem:s31], [sflag:$0x3] =	stream.indirect_vreg.gather [hbm4b:s17+s26], $0x80, v4, vm0, $0xb8;
	[tilespmem:$0x1DA00] =	vst v63  }
0xd4: {  	s4 =	simm.s32 $0x11A00  }
0xd5: {  	[tilespmem:s4], [sflag:$0x3] =	stream.indirect_vreg.gather [hbm4b:s2+s26], $0x80, v3, vm0, $0xb8;
	[tilespmem:$0x1DA00] =	vst v63  }
0xd6: {  	s7 =	simm.s32 $0x12200  }
0xd7: {  	[tilespmem:s7], [sflag:$0x3] =	stream.indirect_vreg.gather [hbm4b:s16+s26], $0x80, v3, vm0, $0xb8;
	[tilespmem:$0x1DA00] =	vst v63  }
0xd8: {  	s13 =	simm.s32 $0x12A00  }
0xd9: {  	[tilespmem:s13], [sflag:$0x3] =	stream.indirect_vreg.gather [hbm4b:s17+s26], $0x80, v3, vm0, $0xb8;
	[tilespmem:$0x1DA00] =	vst v63  }
0xda: {  	v3 =	vld [tilespmem:s30+$0x820];
	_ =	sdelay $0x4  }
0xdb: {  	v63 =	vshrl.u32 v3, $0x3  }
0xdc: {  	v4 =	vmul.u32 $0x30, v63  }
0xdd: {  	v3 =	vand.u32 $0x7, v3  }
0xde: {  	v3 =	vor.u32 v3, v4  }
0xdf: {  	v4 =	vperm.xlane v3, v0;
	_ =	sdelay $0x1  }
0xe0: {  	v4 =	vadd.s32 v1, v4;
	_ =	sdelay $0x3  }
0xe1: {  	s19 =	simm.s32 $0x19200;
	v3 =	vperm.xlane v3, v2  }
0xe2: {  	[tilespmem:s19], [sflag:$0x3] =	stream.indirect_vreg.gather [hbm4b:s3+s26], $0x80, v4, vm0, $0xb8;
	[tilespmem:$0x1DA00] =	vst v63  }
0xe3: {  	s21 =	simm.s32 $0x19A00;
	v3 =	vadd.s32 v1, v3  }
0xe4: {  	[tilespmem:s21], [sflag:$0x3] =	stream.indirect_vreg.gather [hbm4b:s18+s26], $0x80, v4, vm0, $0xb8;
	[tilespmem:$0x1DA00] =	vst v63  }
0xe5: {  	s22 =	simm.s32 $0x1A200  }
0xe6: {  	[tilespmem:s22], [sflag:$0x3] =	stream.indirect_vreg.gather [hbm4b:s20+s26], $0x80, v4, vm0, $0xb8;
	[tilespmem:$0x1DA00] =	vst v63  }
0xe7: {  	s24 =	simm.s32 $0x1AA00;
	s29 =	sadd.s32 $0x20, s30  }
0xe8: {  	[tilespmem:s24], [sflag:$0x3] =	stream.indirect_vreg.gather [hbm4b:s3+s26], $0x80, v3, vm0, $0xb8;
	[tilespmem:$0x1DA00] =	vst v63  }
0xe9: {  	s25 =	simm.s32 $0x1B200;
	s19 =	sadd.s32 s9, s29  }
0xea: {  	[tilespmem:s25], [sflag:$0x3] =	stream.indirect_vreg.gather [hbm4b:s18+s26], $0x80, v3, vm0, $0xb8;
	[tilespmem:$0x1DA00] =	vst v63  }
0xeb: {  	s4 =	simm.s32 $0x1BA00;
	s0 =	sshll.u32 s19, $0x4  }
0xec: {  	[tilespmem:s4], [sflag:$0x3] =	stream.indirect_vreg.gather [hbm4b:s20+s26], $0x80, v3, vm0, $0xb8;
	[tilespmem:$0x1DA00] =	vst v63  }
0xed: {  	s31 =	simm.s32 $0x1D200;
	s0 =	sadd.s32 s10, s0  }
0xee: {  	[tilespmem:s31], [sflag:$0x3] =	stream.linear.gather [hbm4b:s0+s26], $0x800, $0x38;
	[tilespmem:$0x1DA00] =	vst v63  }
0xef: {  	p1 =	por $0x1, $0x1;
	s0 =	simm.s32 $0x0  }
.LBB2_3:
0xf0: {  	s4 =	sshll.u32 s0, $0xA;
	s13 =	simm.s32 $0xC00  }
0xf1: {  	s4 =	sand.u32 $0x3FFFFC00, s4;
	v10 =	vld [tilespmem:s13+$0x0]  }
0xf2: {  	v3 =	vld [tilespmem:s4+$0x1C200]  }
0xf3: {  	v4 =	vld [tilespmem:s4+$0x1C280]  }
0xf4: {  	s0 =	smul.u32 $0x1800, s0;
	v5 =	vld [tilespmem:s4+$0x1C300]  }
0xf5: {  	s7 =	sand.u32 $0x1C00, s26;
	v6 =	vld [tilespmem:s4+$0x1C380]  }
0xf6: {  	s21 =	sand.u32 $0x70, s26;
	v7 =	vld [tilespmem:s4+$0x1C400];
	s24 =	sadd.s32 s0, s7  }
0xf7: {  	v8 =	vld [tilespmem:s4+$0x1C480];
	s29 =	sor.u32 s21, s24  }
0xf8: {  	v11 =	vld [tilespmem:s29+$0x13500]  }
0xf9: {  	v13 =	vld [tilespmem:s29+$0x13380]  }
0xfa: {  	v14 =	vld [tilespmem:s29+$0xA300]  }
0xfb: {  	v15 =	vld [tilespmem:s29+$0x13480]  }
0xfc: {  	v16 =	vld [tilespmem:s29+$0x13300]  }
0xfd: {  	v17 =	vld [tilespmem:s29+$0x13280]  }
0xfe: {  	v18 =	vld [tilespmem:s29+$0xA200]  }
0xff: {  	v19 =	vld [tilespmem:s29+$0xA280]  }
0x100: {  	v20 =	vld [tilespmem:s29+$0x13200]  }
0x101: {  	v21 =	vld [tilespmem:s29+$0xA480]  }
0x102: {  	v22 =	vld [tilespmem:s29+$0xA380]  }
0x103: {  	v23 =	vld [tilespmem:s29+$0xA500]  }
0x104: {  	v9 =	vld [tilespmem:s4+$0x1C500];
	s7 =	simm.s32 $0xF00  }
0x105: {  	v12 =	vld [tilespmem:s7+$0x0];
	v24 =	vmul.f32 v10, v3  }
0x106: {  	v59 =	vld [tilespmem:s29+$0x13400];
	v60 =	vmul.f32 v10, v8;
	v18 =	vadd.f32 v20, v18;
	v14 =	vadd.f32 v16, v14  }
0x107: {  	v16 =	vmul.f32 v10, v5;
	v17 =	vadd.f32 v17, v19;
	v19 =	vld [tilespmem:s29+$0xA400];
	v15 =	vadd.f32 v15, v21  }
0x108: {  	v61 =	vmul.f32 v10, v6;
	v11 =	vadd.f32 v11, v23;
	v13 =	vadd.f32 v13, v22  }
0x109: {  	v18 =	vadd.f32 v18, v24;
	v14 =	vadd.f32 v14, v16;
	v16 =	vmul.f32 v10, v9  }
0x10a: {  	v15 =	vadd.f32 v15, v60;
	v21 =	vadd.f32 v13, v61  }
0x10b: {  	v62 =	vmul.f32 v10, v4;
	v14 =	vadd.f32 v14, v12;
	v16 =	vadd.f32 v11, v16  }
0x10c: {  	v15 =	vadd.f32 v15, v12;
	v11 =	vld [tilespmem:s4+$0x1C580];
	v13 =	vadd.f32 v59, v19;
	v19 =	vmul.f32 v10, v7  }
0x10d: {  	v17 =	vadd.f32 v17, v62;
	[tilespmem:s29+$0x1300] =	vst.add.f32.msk $0xffff, v14;
	v63 =	vadd.f32 v16, v12  }
0x10e: {  	p0 =	por p1, p1;
	[tilespmem:s29+$0x1480] =	vst.add.f32.msk $0xffff, v15;
	v14 =	vadd.f32 v18, v12;
	v15 =	vadd.f32 v13, v19  }
0x10f: {  	s21 =	simm.s32 $0x10;
	s24 =	sor.u32 s24, s26;
	s4 =	simm.s32 $0x0;
	v16 =	vadd.f32 v21, v12;
	v13 =	vadd.f32 v17, v12;
	[tilespmem:s29+$0x1500] =	vst.add.f32.msk $0xffff, v63  }
.LBB2_4:
0x110: {  	[tilespmem:s29+$0x1200] =	vst.add.f32.msk $0xffff, v14;
	v14 =	vadd.f32 v15, v12;
	s4 =	sadd.s32 $0x80, s4;
	s13 =	sadd.s32 $0x10, s13;
	s7 =	sadd.s32 $0x10, s7  }
0x111: {  	p1 =	sne.s32 s21, $0x2F0;
	s22 =	smov.u32 s21;
	s21 =	sadd.s32 $0x10, s21;
	[tilespmem:s29+$0x1380] =	vst.add.f32.msk $0xffff, v16  }
0x112: {  	[tilespmem:s29+$0x1280] =	vst.add.f32.msk $0xffff, v13  }
0x113: {  	s24 =	sor.u32 $0x380, s24;
	[tilespmem:s29+$0x1400] =	vst.add.f32.msk $0xffff, v14  }
0x114: {  	v13 =	vld [tilespmem:s24+$0xA200]  }
0x115: {  	v14 =	vld [tilespmem:s24+$0x13200];
	_ =	sdelay $0x4  }
0x116: {  	v10 =	vmul.f32 v10, v11;
	v13 =	vadd.f32 v14, v13;
	_ =	sdelay $0x1  }
0x117: {  	v10 =	vadd.f32 v13, v10;
	_ =	sdelay $0x1  }
0x118: {  	v10 =	vadd.f32 v10, v12  }
0x119: {  	s29 =	sand.u32 $0x1C00, s4  }
0x11a: {  	s31 =	sand.u32 $0x70, s22;
	s25 =	sadd.s32 s0, s29;
	[tilespmem:s24+$0x1200] =	vst.add.f32.msk $0xffff, v10  }
0x11b: {  	s29 =	sor.u32 s31, s25;
	s24 =	sor.u32 s25, s22;
	v10 =	vld [tilespmem:s13+$0x0]  }
0x11c: {  	v13 =	vld [tilespmem:s29+$0x13500]  }
0x11d: {  	v14 =	vld [tilespmem:s29+$0x13380]  }
0x11e: {  	v15 =	vld [tilespmem:s29+$0xA300]  }
0x11f: {  	v16 =	vld [tilespmem:s29+$0x13480]  }
0x120: {  	v17 =	vld [tilespmem:s29+$0x13300]  }
0x121: {  	v18 =	vld [tilespmem:s29+$0x13280]  }
0x122: {  	v19 =	vld [tilespmem:s29+$0xA200]  }
0x123: {  	v20 =	vld [tilespmem:s29+$0xA280]  }
0x124: {  	v21 =	vld [tilespmem:s29+$0x13200]  }
0x125: {  	v22 =	vmul.f32 v10, v4;
	v23 =	vld [tilespmem:s29+$0xA480]  }
0x126: {  	v24 =	vmul.f32 v10, v3;
	v25 =	vld [tilespmem:s29+$0xA380]  }
0x127: {  	v26 =	vld [tilespmem:s29+$0xA500]  }
0x128: {  	v12 =	vld [tilespmem:s7+$0x0];
	v18 =	vadd.f32 v18, v20  }
0x129: {  	v15 =	vadd.f32 v17, v15;
	v17 =	vmul.f32 v10, v5;
	v19 =	vadd.f32 v21, v19;
	v20 =	vld [tilespmem:s29+$0x13400]  }
0x12a: {  	v21 =	vld [tilespmem:s29+$0xA400];
	v16 =	vadd.f32 v16, v23;
	v23 =	vmul.f32 v10, v8  }
0x12b: {  	v15 =	vadd.f32 v15, v17;
	v17 =	vmul.f32 v10, v6;
	v19 =	vadd.f32 v19, v24  }
0x12c: {  	v16 =	vadd.f32 v16, v23;
	v13 =	vadd.f32 v13, v26;
	v23 =	vmul.f32 v10, v9  }
0x12d: {  	v14 =	vadd.f32 v14, v25;
	v15 =	vadd.f32 v15, v12  }
.Ltmp0:
0x12e: {  	v16 =	vadd.f32 v16, v12;
	v13 =	vadd.f32 v13, v23;
	(pc) =	sbr.rel @p1 .LBB2_4-.Ltmp0, $4  }
0x12f: {  	v17 =	vadd.f32 v14, v17;
	[tilespmem:s29+$0x1300] =	vst.add.f32.msk $0xffff, v15;
	v15 =	vadd.f32 v20, v21;
	v20 =	vmul.f32 v10, v7  }
0x130: {  	v18 =	vadd.f32 v18, v22;
	[tilespmem:s29+$0x1480] =	vst.add.f32.msk $0xffff, v16;
	v21 =	vadd.f32 v13, v12  }
0x131: {  	v14 =	vadd.f32 v19, v12;
	v15 =	vadd.f32 v15, v20  }
0x132: {  	v13 =	vadd.f32 v18, v12;
	v16 =	vadd.f32 v17, v12;
	[tilespmem:s29+$0x1500] =	vst.add.f32.msk $0xffff, v21  }
0x133: {  	[tilespmem:s29+$0x1200] =	vst.add.f32.msk $0xffff, v14  }
0x134: {  	v3 =	vadd.f32 v15, v12;
	[tilespmem:s29+$0x1380] =	vst.add.f32.msk $0xffff, v16  }
0x135: {  	[tilespmem:s29+$0x1280] =	vst.add.f32.msk $0xffff, v13  }
0x136: {  	s0 =	sor.u32 $0x380, s24;
	[tilespmem:s29+$0x1400] =	vst.add.f32.msk $0xffff, v3  }
0x137: {  	v3 =	vld [tilespmem:s0+$0xA200]  }
0x138: {  	v4 =	vld [tilespmem:s0+$0x13200];
	_ =	sdelay $0x4  }
0x139: {  	v63 =	vmul.f32 v10, v11;
	v3 =	vadd.f32 v4, v3;
	_ =	sdelay $0x1  }
.Ltmp1:
0x13a: {  	v3 =	vadd.f32 v3, v63;
	(pc) =	sbr.rel @p0 .LBB2_3-.Ltmp1, $3  }
0x13b: {  	_ = 	snop  }
0x13c: {  	v3 =	vadd.f32 v3, v12;
	_ =	sdelay $0x1  }
0x13d: {  	p1 =	por $0x0, $0x0;
	[tilespmem:s0+$0x1200] =	vst.add.f32.msk $0xffff, v3;
	s0 =	simm.s32 $0x1  }
0x13e: {  	s0 =	sadd.s32 s9, s30  }
0x13f: {  	s0 =	sshrl.u32 s0, $0x3  }
0x140: {  	s0 =	smul.u32 $0x300, s0;
	_ =	sdelay $0x1  }
0x141: {  	s26 =	simm.s32 $0x0;
	s31 =	simm.s32 $0x1200;
	s0 =	sadd.s32 s6, s0  }
0x142: {  	[hbm4b:s0+s26] =	stream.linear.scatter [tilespmem:s31], [sflag:$0x4], $0x3000, $0x38;
	[tilespmem:$0x1DA00] =	vst v63  }
0x143: {  	_ =	swait.ge [sflag:s11], $0x3000  }
0x144: {  	[sflag:s11] =	ssyncset.done $0x0  }
0x145: {  	[sflag:s11] =	ssyncadd.s32 $0xFFFFD000  }
0x146: {  	_ =	swait.ge [sflag:s11], $0x3000  }
0x147: {  	[sflag:s11] =	ssyncset.done $0x0  }
0x148: {  	[sflag:s11] =	ssyncadd.s32 $0xFFFFD000  }
0x149: {  	_ =	swait.ge [sflag:s11], $0x3000  }
0x14a: {  	[sflag:s11] =	ssyncset.done $0x0  }
0x14b: {  	[sflag:s11] =	ssyncadd.s32 $0xFFFFD000  }
0x14c: {  	_ =	swait.ge [sflag:s11], $0x800  }
0x14d: {  	[sflag:s11] =	ssyncset.done $0x0  }
0x14e: {  	[sflag:s11] =	ssyncadd.s32 $0xFFFFF800  }
0x14f: {  	_ =	swait.ge [sflag:s23], $0x3000  }
0x150: {  	[sflag:s23] =	ssyncset.done $0x0  }
0x151: {  	[sflag:s23] =	ssyncadd.s32 $0xFFFFD000  }
0x152: {  	v3 =	vld [tilespmem:s30+$0x30];
	_ =	sdelay $0x4  }
0x153: {  	v4 =	vshrl.u32 v3, $0x3  }
0x154: {  	v4 =	vmul.u32 $0x30, v4  }
0x155: {  	v3 =	vand.u32 $0x7, v3  }
0x156: {  	v3 =	vor.u32 v3, v4  }
0x157: {  	v4 =	vperm.xlane v3, v0;
	_ =	sdelay $0x1  }
0x158: {  	v4 =	vadd.s32 v1, v4;
	_ =	sdelay $0x3  }
0x159: {  	v3 =	vperm.xlane v3, v2  }
0x15a: {  	[tilespmem:s31], [sflag:$0x1] =	stream.indirect_vreg.gather [hbm4b:s1+s26], $0x80, v4, vm0, $0xb8;
	[tilespmem:$0x1DA00] =	vst v63  }
0x15b: {  	s25 =	simm.s32 $0x1A00;
	v3 =	vadd.s32 v1, v3  }
0x15c: {  	[tilespmem:s25], [sflag:$0x1] =	stream.indirect_vreg.gather [hbm4b:s14+s26], $0x80, v4, vm0, $0xb8;
	[tilespmem:$0x1DA00] =	vst v63  }
0x15d: {  	s29 =	simm.s32 $0x2200  }
0x15e: {  	[tilespmem:s29], [sflag:$0x1] =	stream.indirect_vreg.gather [hbm4b:s15+s26], $0x80, v4, vm0, $0xb8;
	[tilespmem:$0x1DA00] =	vst v63  }
0x15f: {  	s4 =	simm.s32 $0x2A00  }
0x160: {  	[tilespmem:s4], [sflag:$0x1] =	stream.indirect_vreg.gather [hbm4b:s1+s26], $0x80, v3, vm0, $0xb8;
	[tilespmem:$0x1DA00] =	vst v63  }
0x161: {  	s7 =	simm.s32 $0x3200  }
0x162: {  	[tilespmem:s7], [sflag:$0x1] =	stream.indirect_vreg.gather [hbm4b:s14+s26], $0x80, v3, vm0, $0xb8;
	[tilespmem:$0x1DA00] =	vst v63  }
0x163: {  	s13 =	simm.s32 $0x3A00  }
0x164: {  	[tilespmem:s13], [sflag:$0x1] =	stream.indirect_vreg.gather [hbm4b:s15+s26], $0x80, v3, vm0, $0xb8;
	[tilespmem:$0x1DA00] =	vst v63  }
0x165: {  	v3 =	vld [tilespmem:s30+$0x430];
	_ =	sdelay $0x4  }
0x166: {  	v62 =	vshrl.u32 v3, $0x3  }
0x167: {  	v4 =	vmul.u32 $0x30, v62  }
0x168: {  	v3 =	vand.u32 $0x7, v3  }
0x169: {  	v3 =	vor.u32 v3, v4  }
0x16a: {  	v4 =	vperm.xlane v3, v0;
	_ =	sdelay $0x1  }
0x16b: {  	v4 =	vadd.s32 v1, v4;
	_ =	sdelay $0x3  }
0x16c: {  	s21 =	simm.s32 $0xA200;
	v3 =	vperm.xlane v3, v2  }
0x16d: {  	[tilespmem:s21], [sflag:$0x1] =	stream.indirect_vreg.gather [hbm4b:s2+s26], $0x80, v4, vm0, $0xb8;
	[tilespmem:$0x1DA00] =	vst v63  }
0x16e: {  	s22 =	simm.s32 $0xAA00;
	v3 =	vadd.s32 v1, v3  }
0x16f: {  	[tilespmem:s22], [sflag:$0x1] =	stream.indirect_vreg.gather [hbm4b:s16+s26], $0x80, v4, vm0, $0xb8;
	[tilespmem:$0x1DA00] =	vst v63  }
0x170: {  	s24 =	simm.s32 $0xB200  }
0x171: {  	[tilespmem:s24], [sflag:$0x1] =	stream.indirect_vreg.gather [hbm4b:s17+s26], $0x80, v4, vm0, $0xb8;
	[tilespmem:$0x1DA00] =	vst v63  }
0x172: {  	s25 =	simm.s32 $0xBA00  }
0x173: {  	[tilespmem:s25], [sflag:$0x1] =	stream.indirect_vreg.gather [hbm4b:s2+s26], $0x80, v3, vm0, $0xb8;
	[tilespmem:$0x1DA00] =	vst v63  }
0x174: {  	s29 =	simm.s32 $0xC200  }
0x175: {  	[tilespmem:s29], [sflag:$0x1] =	stream.indirect_vreg.gather [hbm4b:s16+s26], $0x80, v3, vm0, $0xb8;
	[tilespmem:$0x1DA00] =	vst v63  }
0x176: {  	s4 =	simm.s32 $0xCA00  }
0x177: {  	[tilespmem:s4], [sflag:$0x1] =	stream.indirect_vreg.gather [hbm4b:s17+s26], $0x80, v3, vm0, $0xb8;
	[tilespmem:$0x1DA00] =	vst v63  }
0x178: {  	v3 =	vld [tilespmem:s30+$0x830];
	_ =	sdelay $0x4  }
0x179: {  	v63 =	vshrl.u32 v3, $0x3  }
0x17a: {  	v4 =	vmul.u32 $0x30, v63  }
0x17b: {  	v3 =	vand.u32 $0x7, v3  }
0x17c: {  	v3 =	vor.u32 v3, v4  }
0x17d: {  	v4 =	vperm.xlane v3, v0;
	_ =	sdelay $0x1  }
0x17e: {  	v4 =	vadd.s32 v1, v4;
	_ =	sdelay $0x3  }
0x17f: {  	s7 =	simm.s32 $0x13200;
	v3 =	vperm.xlane v3, v2  }
0x180: {  	[tilespmem:s7], [sflag:$0x1] =	stream.indirect_vreg.gather [hbm4b:s3+s26], $0x80, v4, vm0, $0xb8;
	[tilespmem:$0x1DA00] =	vst v63  }
0x181: {  	s13 =	simm.s32 $0x13A00;
	v3 =	vadd.s32 v1, v3  }
0x182: {  	[tilespmem:s13], [sflag:$0x1] =	stream.indirect_vreg.gather [hbm4b:s18+s26], $0x80, v4, vm0, $0xb8;
	[tilespmem:$0x1DA00] =	vst v63  }
0x183: {  	s21 =	simm.s32 $0x14200  }
0x184: {  	[tilespmem:s21], [sflag:$0x1] =	stream.indirect_vreg.gather [hbm4b:s20+s26], $0x80, v4, vm0, $0xb8;
	[tilespmem:$0x1DA00] =	vst v63  }
0x185: {  	s22 =	simm.s32 $0x14A00;
	s25 =	sadd.s32 $0x30, s30  }
0x186: {  	[tilespmem:s22], [sflag:$0x1] =	stream.indirect_vreg.gather [hbm4b:s3+s26], $0x80, v3, vm0, $0xb8;
	[tilespmem:$0x1DA00] =	vst v63  }
0x187: {  	s24 =	simm.s32 $0x15200;
	s0 =	sadd.s32 s9, s25  }
0x188: {  	[tilespmem:s24], [sflag:$0x1] =	stream.indirect_vreg.gather [hbm4b:s18+s26], $0x80, v3, vm0, $0xb8;
	[tilespmem:$0x1DA00] =	vst v63  }
0x189: {  	s0 =	sshll.u32 s0, $0x4;
	s4 =	simm.s32 $0x15A00  }
0x18a: {  	[tilespmem:s4], [sflag:$0x1] =	stream.indirect_vreg.gather [hbm4b:s20+s26], $0x80, v3, vm0, $0xb8;
	[tilespmem:$0x1DA00] =	vst v63  }
0x18b: {  	s29 =	simm.s32 $0x1C200;
	s0 =	sadd.s32 s10, s0  }
0x18c: {  	[tilespmem:s29], [sflag:$0x1] =	stream.linear.gather [hbm4b:s0+s26], $0x800, $0x38;
	[tilespmem:$0x1DA00] =	vst v63  }
0x18d: {  	p1 =	por $0x1, $0x1;
	s0 =	simm.s32 $0x0  }
.LBB2_7:
0x18e: {  	s4 =	sshll.u32 s0, $0xA;
	s13 =	simm.s32 $0xC00  }
0x18f: {  	s4 =	sand.u32 $0x3FFFFC00, s4;
	v10 =	vld [tilespmem:s13+$0x0]  }
0x190: {  	v3 =	vld [tilespmem:s4+$0x1CA00]  }
0x191: {  	v4 =	vld [tilespmem:s4+$0x1CA80]  }
0x192: {  	s0 =	smul.u32 $0x1800, s0;
	v5 =	vld [tilespmem:s4+$0x1CB00]  }
0x193: {  	s7 =	sand.u32 $0x1C00, s26;
	v6 =	vld [tilespmem:s4+$0x1CB80]  }
0x194: {  	s21 =	sand.u32 $0x70, s26;
	v7 =	vld [tilespmem:s4+$0x1CC00];
	s22 =	sadd.s32 s0, s7  }
0x195: {  	v8 =	vld [tilespmem:s4+$0x1CC80];
	s29 =	sor.u32 s21, s22  }
0x196: {  	v11 =	vld [tilespmem:s29+$0x16500]  }
0x197: {  	v13 =	vld [tilespmem:s29+$0x16380]  }
0x198: {  	v14 =	vld [tilespmem:s29+$0xD300]  }
0x199: {  	v15 =	vld [tilespmem:s29+$0x16480]  }
0x19a: {  	v16 =	vld [tilespmem:s29+$0x16300]  }
0x19b: {  	v17 =	vld [tilespmem:s29+$0x16280]  }
0x19c: {  	v18 =	vld [tilespmem:s29+$0xD200]  }
0x19d: {  	v19 =	vld [tilespmem:s29+$0xD280]  }
0x19e: {  	v20 =	vld [tilespmem:s29+$0x16200]  }
0x19f: {  	v21 =	vld [tilespmem:s29+$0xD480]  }
0x1a0: {  	v22 =	vld [tilespmem:s29+$0xD380]  }
0x1a1: {  	v23 =	vld [tilespmem:s29+$0xD500]  }
0x1a2: {  	v9 =	vld [tilespmem:s4+$0x1CD00];
	s7 =	simm.s32 $0xF00  }
0x1a3: {  	v12 =	vld [tilespmem:s7+$0x0];
	v24 =	vmul.f32 v10, v3  }
0x1a4: {  	v59 =	vld [tilespmem:s29+$0x16400];
	v60 =	vmul.f32 v10, v8;
	v18 =	vadd.f32 v20, v18;
	v14 =	vadd.f32 v16, v14  }
0x1a5: {  	v16 =	vmul.f32 v10, v5;
	v17 =	vadd.f32 v17, v19;
	v19 =	vld [tilespmem:s29+$0xD400];
	v15 =	vadd.f32 v15, v21  }
0x1a6: {  	v61 =	vmul.f32 v10, v6;
	v11 =	vadd.f32 v11, v23;
	v13 =	vadd.f32 v13, v22  }
0x1a7: {  	v18 =	vadd.f32 v18, v24;
	v14 =	vadd.f32 v14, v16;
	v16 =	vmul.f32 v10, v9  }
0x1a8: {  	v15 =	vadd.f32 v15, v60;
	v21 =	vadd.f32 v13, v61  }
0x1a9: {  	v62 =	vmul.f32 v10, v4;
	v14 =	vadd.f32 v14, v12;
	v16 =	vadd.f32 v11, v16  }
0x1aa: {  	v15 =	vadd.f32 v15, v12;
	v11 =	vld [tilespmem:s4+$0x1CD80];
	v13 =	vadd.f32 v59, v19;
	v19 =	vmul.f32 v10, v7  }
0x1ab: {  	v17 =	vadd.f32 v17, v62;
	[tilespmem:s29+$0x4300] =	vst.add.f32.msk $0xffff, v14;
	v63 =	vadd.f32 v16, v12  }
0x1ac: {  	p0 =	por p1, p1;
	[tilespmem:s29+$0x4480] =	vst.add.f32.msk $0xffff, v15;
	v14 =	vadd.f32 v18, v12;
	v15 =	vadd.f32 v13, v19  }
0x1ad: {  	s21 =	simm.s32 $0x10;
	s24 =	sor.u32 s22, s26;
	s4 =	simm.s32 $0x0;
	v16 =	vadd.f32 v21, v12;
	v13 =	vadd.f32 v17, v12;
	[tilespmem:s29+$0x4500] =	vst.add.f32.msk $0xffff, v63  }
.LBB2_8:
0x1ae: {  	[tilespmem:s29+$0x4200] =	vst.add.f32.msk $0xffff, v14;
	v14 =	vadd.f32 v15, v12;
	s4 =	sadd.s32 $0x80, s4;
	s13 =	sadd.s32 $0x10, s13;
	s7 =	sadd.s32 $0x10, s7  }
0x1af: {  	p1 =	sne.s32 s21, $0x2F0;
	s22 =	smov.u32 s21;
	s21 =	sadd.s32 $0x10, s21;
	[tilespmem:s29+$0x4380] =	vst.add.f32.msk $0xffff, v16  }
0x1b0: {  	[tilespmem:s29+$0x4280] =	vst.add.f32.msk $0xffff, v13  }
0x1b1: {  	s24 =	sor.u32 $0x380, s24;
	[tilespmem:s29+$0x4400] =	vst.add.f32.msk $0xffff, v14  }
0x1b2: {  	v13 =	vld [tilespmem:s24+$0xD200]  }
0x1b3: {  	v14 =	vld [tilespmem:s24+$0x16200];
	_ =	sdelay $0x4  }
0x1b4: {  	v10 =	vmul.f32 v10, v11;
	v13 =	vadd.f32 v14, v13;
	_ =	sdelay $0x1  }
0x1b5: {  	v10 =	vadd.f32 v13, v10;
	_ =	sdelay $0x1  }
0x1b6: {  	v10 =	vadd.f32 v10, v12  }
0x1b7: {  	s25 =	sand.u32 $0x1C00, s4  }
0x1b8: {  	s25 =	sadd.s32 s0, s25;
	s29 =	sand.u32 $0x70, s22;
	[tilespmem:s24+$0x4200] =	vst.add.f32.msk $0xffff, v10  }
0x1b9: {  	s29 =	sor.u32 s29, s25;
	s24 =	sor.u32 s25, s22;
	v10 =	vld [tilespmem:s13+$0x0]  }
0x1ba: {  	v13 =	vld [tilespmem:s29+$0x16500]  }
0x1bb: {  	v14 =	vld [tilespmem:s29+$0x16380]  }
0x1bc: {  	v15 =	vld [tilespmem:s29+$0xD300]  }
0x1bd: {  	v16 =	vld [tilespmem:s29+$0x16480]  }
0x1be: {  	v17 =	vld [tilespmem:s29+$0x16300]  }
0x1bf: {  	v18 =	vld [tilespmem:s29+$0x16280]  }
0x1c0: {  	v19 =	vld [tilespmem:s29+$0xD200]  }
0x1c1: {  	v20 =	vld [tilespmem:s29+$0xD280]  }
0x1c2: {  	v21 =	vld [tilespmem:s29+$0x16200]  }
0x1c3: {  	v22 =	vmul.f32 v10, v4;
	v23 =	vld [tilespmem:s29+$0xD480]  }
0x1c4: {  	v24 =	vmul.f32 v10, v3;
	v25 =	vld [tilespmem:s29+$0xD380]  }
0x1c5: {  	v26 =	vld [tilespmem:s29+$0xD500]  }
0x1c6: {  	v12 =	vld [tilespmem:s7+$0x0];
	v18 =	vadd.f32 v18, v20  }
0x1c7: {  	v15 =	vadd.f32 v17, v15;
	v17 =	vmul.f32 v10, v5;
	v19 =	vadd.f32 v21, v19;
	v20 =	vld [tilespmem:s29+$0x16400]  }
0x1c8: {  	v21 =	vld [tilespmem:s29+$0xD400];
	v16 =	vadd.f32 v16, v23;
	v23 =	vmul.f32 v10, v8  }
0x1c9: {  	v15 =	vadd.f32 v15, v17;
	v17 =	vmul.f32 v10, v6;
	v19 =	vadd.f32 v19, v24  }
0x1ca: {  	v16 =	vadd.f32 v16, v23;
	v13 =	vadd.f32 v13, v26;
	v23 =	vmul.f32 v10, v9  }
0x1cb: {  	v14 =	vadd.f32 v14, v25;
	v15 =	vadd.f32 v15, v12  }
.Ltmp2:
0x1cc: {  	v16 =	vadd.f32 v16, v12;
	v13 =	vadd.f32 v13, v23;
	(pc) =	sbr.rel @p1 .LBB2_8-.Ltmp2, $4  }
0x1cd: {  	v17 =	vadd.f32 v14, v17;
	[tilespmem:s29+$0x4300] =	vst.add.f32.msk $0xffff, v15;
	v15 =	vadd.f32 v20, v21;
	v20 =	vmul.f32 v10, v7  }
0x1ce: {  	v18 =	vadd.f32 v18, v22;
	[tilespmem:s29+$0x4480] =	vst.add.f32.msk $0xffff, v16;
	v21 =	vadd.f32 v13, v12  }
0x1cf: {  	v14 =	vadd.f32 v19, v12;
	v15 =	vadd.f32 v15, v20  }
0x1d0: {  	v13 =	vadd.f32 v18, v12;
	v16 =	vadd.f32 v17, v12;
	[tilespmem:s29+$0x4500] =	vst.add.f32.msk $0xffff, v21  }
0x1d1: {  	[tilespmem:s29+$0x4200] =	vst.add.f32.msk $0xffff, v14  }
0x1d2: {  	v3 =	vadd.f32 v15, v12;
	[tilespmem:s29+$0x4380] =	vst.add.f32.msk $0xffff, v16  }
0x1d3: {  	[tilespmem:s29+$0x4280] =	vst.add.f32.msk $0xffff, v13  }
0x1d4: {  	s0 =	sor.u32 $0x380, s24;
	[tilespmem:s29+$0x4400] =	vst.add.f32.msk $0xffff, v3  }
0x1d5: {  	v3 =	vld [tilespmem:s0+$0xD200]  }
0x1d6: {  	v4 =	vld [tilespmem:s0+$0x16200];
	_ =	sdelay $0x4  }
0x1d7: {  	v63 =	vmul.f32 v10, v11;
	v3 =	vadd.f32 v4, v3;
	_ =	sdelay $0x1  }
.Ltmp3:
0x1d8: {  	v3 =	vadd.f32 v3, v63;
	(pc) =	sbr.rel @p0 .LBB2_7-.Ltmp3, $3  }
0x1d9: {  	_ = 	snop  }
0x1da: {  	v3 =	vadd.f32 v3, v12;
	_ =	sdelay $0x1  }
0x1db: {  	p1 =	por $0x0, $0x0;
	[tilespmem:s0+$0x4200] =	vst.add.f32.msk $0xffff, v3;
	s0 =	simm.s32 $0x1  }
0x1dc: {  	s0 =	rddreg [dreg:$0x10]  }
0x1dd: {  	s0 =	sadd.s32 s30, s0  }
0x1de: {  	s0 =	sshrl.u32 s0, $0x3  }
0x1df: {  	s0 =	smul.u32 $0x300, s0;
	_ =	sdelay $0x1  }
0x1e0: {  	s4 =	simm.s32 $0x4200;
	s0 =	sadd.s32 s6, s0  }
0x1e1: {  	[hbm4b:s0+s8] =	stream.linear.scatter [tilespmem:s4], [sflag:$0x5], $0x3000, $0x38;
	[tilespmem:$0x1DA00] =	vst v63  }
0x1e2: {  	_ =	swait.ge [sflag:s28], $0x3000  }
0x1e3: {  	[sflag:s28] =	ssyncset.done $0x0  }
0x1e4: {  	[sflag:s28] =	ssyncadd.s32 $0xFFFFD000  }
0x1e5: {  	_ =	swait.ge [sflag:s28], $0x3000  }
0x1e6: {  	[sflag:s28] =	ssyncset.done $0x0  }
0x1e7: {  	[sflag:s28] =	ssyncadd.s32 $0xFFFFD000  }
0x1e8: {  	p0 =	seq.s32 s12, $0x14;
	_ =	swait.ge [sflag:s28], $0x3000  }
.Ltmp4:
0x1e9: {  	[sflag:s28] =	ssyncset.done $0x0;
	(pc) =	sbr.rel @p0 .LBB2_12-.Ltmp4, $4  }
0x1ea: {  	[sflag:s28] =	ssyncadd.s32 $0xFFFFD000  }
0x1eb: {  	_ =	swait.ge [sflag:s28], $0x800  }
0x1ec: {  	[sflag:s28] =	ssyncset.done $0x0  }
0x1ed: {  	[sflag:s28] =	ssyncadd.s32 $0xFFFFF800  }
0x1ee: {  	s0 =	simm.s32 $0x5  }
0x1ef: {  	_ =	swait.ge [sflag:s0], $0x3000  }
0x1f0: {  	[sflag:s0] =	ssyncset.done $0x0  }
0x1f1: {  	[sflag:s0] =	ssyncadd.s32 $0xFFFFD000  }
0x1f2: {  	v3 =	vld [tilespmem:s30+$0x40];
	_ =	sdelay $0x4  }
0x1f3: {  	v4 =	vshrl.u32 v3, $0x3  }
0x1f4: {  	v4 =	vmul.u32 $0x30, v4  }
0x1f5: {  	v3 =	vand.u32 $0x7, v3  }
0x1f6: {  	v3 =	vor.u32 v3, v4  }
0x1f7: {  	v4 =	vperm.xlane v3, v0;
	_ =	sdelay $0x1  }
0x1f8: {  	v4 =	vadd.s32 v1, v4;
	_ =	sdelay $0x3  }
0x1f9: {  	s4 =	simm.s32 $0x4200;
	v3 =	vperm.xlane v3, v2  }
0x1fa: {  	[tilespmem:s4], [sflag:$0x2] =	stream.indirect_vreg.gather [hbm4b:s1+s8], $0x80, v4, vm0, $0xb8;
	[tilespmem:$0x1DA00] =	vst v63  }
0x1fb: {  	s7 =	simm.s32 $0x4A00;
	v3 =	vadd.s32 v1, v3  }
0x1fc: {  	[tilespmem:s7], [sflag:$0x2] =	stream.indirect_vreg.gather [hbm4b:s14+s8], $0x80, v4, vm0, $0xb8;
	[tilespmem:$0x1DA00] =	vst v63  }
0x1fd: {  	s13 =	simm.s32 $0x5200  }
0x1fe: {  	[tilespmem:s13], [sflag:$0x2] =	stream.indirect_vreg.gather [hbm4b:s15+s8], $0x80, v4, vm0, $0xb8;
	[tilespmem:$0x1DA00] =	vst v63  }
0x1ff: {  	s21 =	simm.s32 $0x5A00  }
0x200: {  	[tilespmem:s21], [sflag:$0x2] =	stream.indirect_vreg.gather [hbm4b:s1+s8], $0x80, v3, vm0, $0xb8;
	[tilespmem:$0x1DA00] =	vst v63  }
0x201: {  	s22 =	simm.s32 $0x6200  }
0x202: {  	[tilespmem:s22], [sflag:$0x2] =	stream.indirect_vreg.gather [hbm4b:s14+s8], $0x80, v3, vm0, $0xb8;
	[tilespmem:$0x1DA00] =	vst v63  }
0x203: {  	s24 =	simm.s32 $0x6A00  }
0x204: {  	[tilespmem:s24], [sflag:$0x2] =	stream.indirect_vreg.gather [hbm4b:s15+s8], $0x80, v3, vm0, $0xb8;
	[tilespmem:$0x1DA00] =	vst v63  }
0x205: {  	v3 =	vld [tilespmem:s30+$0x440];
	_ =	sdelay $0x4  }
0x206: {  	v62 =	vshrl.u32 v3, $0x3  }
0x207: {  	v4 =	vmul.u32 $0x30, v62  }
0x208: {  	v3 =	vand.u32 $0x7, v3  }
0x209: {  	v3 =	vor.u32 v3, v4  }
0x20a: {  	v4 =	vperm.xlane v3, v0;
	_ =	sdelay $0x1  }
0x20b: {  	v4 =	vadd.s32 v1, v4;
	_ =	sdelay $0x3  }
0x20c: {  	s25 =	simm.s32 $0xD200;
	v3 =	vperm.xlane v3, v2  }
0x20d: {  	[tilespmem:s25], [sflag:$0x2] =	stream.indirect_vreg.gather [hbm4b:s2+s8], $0x80, v4, vm0, $0xb8;
	[tilespmem:$0x1DA00] =	vst v63  }
0x20e: {  	s26 =	simm.s32 $0xDA00;
	v3 =	vadd.s32 v1, v3  }
0x20f: {  	[tilespmem:s26], [sflag:$0x2] =	stream.indirect_vreg.gather [hbm4b:s16+s8], $0x80, v4, vm0, $0xb8;
	[tilespmem:$0x1DA00] =	vst v63  }
0x210: {  	s29 =	simm.s32 $0xE200  }
0x211: {  	[tilespmem:s29], [sflag:$0x2] =	stream.indirect_vreg.gather [hbm4b:s17+s8], $0x80, v4, vm0, $0xb8;
	[tilespmem:$0x1DA00] =	vst v63  }
0x212: {  	s4 =	simm.s32 $0xEA00  }
0x213: {  	[tilespmem:s4], [sflag:$0x2] =	stream.indirect_vreg.gather [hbm4b:s2+s8], $0x80, v3, vm0, $0xb8;
	[tilespmem:$0x1DA00] =	vst v63  }
0x214: {  	s7 =	simm.s32 $0xF200  }
0x215: {  	[tilespmem:s7], [sflag:$0x2] =	stream.indirect_vreg.gather [hbm4b:s16+s8], $0x80, v3, vm0, $0xb8;
	[tilespmem:$0x1DA00] =	vst v63  }
0x216: {  	s13 =	simm.s32 $0xFA00  }
0x217: {  	[tilespmem:s13], [sflag:$0x2] =	stream.indirect_vreg.gather [hbm4b:s17+s8], $0x80, v3, vm0, $0xb8;
	[tilespmem:$0x1DA00] =	vst v63  }
0x218: {  	v3 =	vld [tilespmem:s30+$0x840];
	_ =	sdelay $0x4  }
0x219: {  	v63 =	vshrl.u32 v3, $0x3  }
0x21a: {  	v4 =	vmul.u32 $0x30, v63  }
0x21b: {  	v3 =	vand.u32 $0x7, v3  }
0x21c: {  	v3 =	vor.u32 v3, v4  }
0x21d: {  	v4 =	vperm.xlane v3, v0;
	_ =	sdelay $0x1  }
0x21e: {  	v4 =	vadd.s32 v1, v4;
	_ =	sdelay $0x3  }
0x21f: {  	s21 =	simm.s32 $0x16200;
	v3 =	vperm.xlane v3, v2  }
0x220: {  	[tilespmem:s21], [sflag:$0x2] =	stream.indirect_vreg.gather [hbm4b:s3+s8], $0x80, v4, vm0, $0xb8;
	[tilespmem:$0x1DA00] =	vst v63  }
0x221: {  	s22 =	simm.s32 $0x16A00;
	v3 =	vadd.s32 v1, v3  }
0x222: {  	[tilespmem:s22], [sflag:$0x2] =	stream.indirect_vreg.gather [hbm4b:s18+s8], $0x80, v4, vm0, $0xb8;
	[tilespmem:$0x1DA00] =	vst v63  }
0x223: {  	s24 =	simm.s32 $0x17200  }
0x224: {  	[tilespmem:s24], [sflag:$0x2] =	stream.indirect_vreg.gather [hbm4b:s20+s8], $0x80, v4, vm0, $0xb8;
	[tilespmem:$0x1DA00] =	vst v63  }
0x225: {  	s25 =	simm.s32 $0x17A00;
	s29 =	sadd.s32 $0x40, s30  }
0x226: {  	[tilespmem:s25], [sflag:$0x2] =	stream.indirect_vreg.gather [hbm4b:s3+s8], $0x80, v3, vm0, $0xb8;
	[tilespmem:$0x1DA00] =	vst v63  }
0x227: {  	s26 =	simm.s32 $0x18200;
	s0 =	sadd.s32 s9, s29  }
0x228: {  	[tilespmem:s26], [sflag:$0x2] =	stream.indirect_vreg.gather [hbm4b:s18+s8], $0x80, v3, vm0, $0xb8;
	[tilespmem:$0x1DA00] =	vst v63  }
0x229: {  	s4 =	simm.s32 $0x18A00;
	s0 =	sshll.u32 s0, $0x4  }
0x22a: {  	[tilespmem:s4], [sflag:$0x2] =	stream.indirect_vreg.gather [hbm4b:s20+s8], $0x80, v3, vm0, $0xb8;
	[tilespmem:$0x1DA00] =	vst v63  }
0x22b: {  	s0 =	sadd.s32 s10, s0;
	s30 =	simm.s32 $0x1CA00  }
0x22c: {  	[tilespmem:s30], [sflag:$0x2] =	stream.linear.gather [hbm4b:s0+s8], $0x800, $0x38;
	[tilespmem:$0x1DA00] =	vst v63  }
.LBB2_12:
0x22d: {  	s26 =	simm.s32 $0x0;
	p1 =	por $0x1, $0x1;
	s0 =	simm.s32 $0x0  }
.LBB2_13:
0x22e: {  	s4 =	sshll.u32 s0, $0xA;
	s13 =	simm.s32 $0xC00  }
0x22f: {  	s4 =	sand.u32 $0x3FFFFC00, s4;
	v10 =	vld [tilespmem:s13+$0x0]  }
0x230: {  	v3 =	vld [tilespmem:s4+$0x1D200]  }
0x231: {  	v4 =	vld [tilespmem:s4+$0x1D280]  }
0x232: {  	s0 =	smul.u32 $0x1800, s0;
	v5 =	vld [tilespmem:s4+$0x1D300]  }
0x233: {  	s7 =	sand.u32 $0x1C00, s26;
	v6 =	vld [tilespmem:s4+$0x1D380]  }
0x234: {  	s21 =	sand.u32 $0x70, s26;
	v7 =	vld [tilespmem:s4+$0x1D400];
	s22 =	sadd.s32 s0, s7  }
0x235: {  	v8 =	vld [tilespmem:s4+$0x1D480];
	s29 =	sor.u32 s21, s22  }
0x236: {  	v11 =	vld [tilespmem:s29+$0x19500]  }
0x237: {  	v13 =	vld [tilespmem:s29+$0x19380]  }
0x238: {  	v14 =	vld [tilespmem:s29+$0x10300]  }
0x239: {  	v15 =	vld [tilespmem:s29+$0x19480]  }
0x23a: {  	v16 =	vld [tilespmem:s29+$0x19300]  }
0x23b: {  	v17 =	vld [tilespmem:s29+$0x19280]  }
0x23c: {  	v18 =	vld [tilespmem:s29+$0x10200]  }
0x23d: {  	v19 =	vld [tilespmem:s29+$0x10280]  }
0x23e: {  	v20 =	vld [tilespmem:s29+$0x19200]  }
0x23f: {  	v21 =	vld [tilespmem:s29+$0x10480]  }
0x240: {  	v22 =	vld [tilespmem:s29+$0x10380]  }
0x241: {  	v23 =	vld [tilespmem:s29+$0x10500]  }
0x242: {  	v9 =	vld [tilespmem:s4+$0x1D500];
	s7 =	simm.s32 $0xF00  }
0x243: {  	v12 =	vld [tilespmem:s7+$0x0];
	v24 =	vmul.f32 v10, v3  }
0x244: {  	v59 =	vld [tilespmem:s29+$0x19400];
	v60 =	vmul.f32 v10, v8;
	v18 =	vadd.f32 v20, v18;
	v14 =	vadd.f32 v16, v14  }
0x245: {  	v16 =	vmul.f32 v10, v5;
	v17 =	vadd.f32 v17, v19;
	v19 =	vld [tilespmem:s29+$0x10400];
	v15 =	vadd.f32 v15, v21  }
0x246: {  	v61 =	vmul.f32 v10, v6;
	v11 =	vadd.f32 v11, v23;
	v13 =	vadd.f32 v13, v22  }
0x247: {  	v18 =	vadd.f32 v18, v24;
	v14 =	vadd.f32 v14, v16;
	v16 =	vmul.f32 v10, v9  }
0x248: {  	v15 =	vadd.f32 v15, v60;
	v21 =	vadd.f32 v13, v61  }
0x249: {  	v62 =	vmul.f32 v10, v4;
	v14 =	vadd.f32 v14, v12;
	v16 =	vadd.f32 v11, v16  }
0x24a: {  	v15 =	vadd.f32 v15, v12;
	v11 =	vld [tilespmem:s4+$0x1D580];
	v13 =	vadd.f32 v59, v19;
	v19 =	vmul.f32 v10, v7  }
0x24b: {  	v17 =	vadd.f32 v17, v62;
	[tilespmem:s29+$0x7300] =	vst.add.f32.msk $0xffff, v14;
	v63 =	vadd.f32 v16, v12  }
0x24c: {  	p0 =	por p1, p1;
	[tilespmem:s29+$0x7480] =	vst.add.f32.msk $0xffff, v15;
	v14 =	vadd.f32 v18, v12;
	v15 =	vadd.f32 v13, v19  }
0x24d: {  	s21 =	simm.s32 $0x10;
	s24 =	sor.u32 s22, s26;
	s4 =	simm.s32 $0x0;
	v16 =	vadd.f32 v21, v12;
	v13 =	vadd.f32 v17, v12;
	[tilespmem:s29+$0x7500] =	vst.add.f32.msk $0xffff, v63  }
.LBB2_14:
0x24e: {  	[tilespmem:s29+$0x7200] =	vst.add.f32.msk $0xffff, v14;
	v14 =	vadd.f32 v15, v12;
	s4 =	sadd.s32 $0x80, s4;
	s13 =	sadd.s32 $0x10, s13;
	s7 =	sadd.s32 $0x10, s7  }
0x24f: {  	p1 =	sne.s32 s21, $0x2F0;
	s22 =	smov.u32 s21;
	s21 =	sadd.s32 $0x10, s21;
	[tilespmem:s29+$0x7380] =	vst.add.f32.msk $0xffff, v16  }
0x250: {  	[tilespmem:s29+$0x7280] =	vst.add.f32.msk $0xffff, v13  }
0x251: {  	s24 =	sor.u32 $0x380, s24;
	[tilespmem:s29+$0x7400] =	vst.add.f32.msk $0xffff, v14  }
0x252: {  	v13 =	vld [tilespmem:s24+$0x10200]  }
0x253: {  	v14 =	vld [tilespmem:s24+$0x19200];
	_ =	sdelay $0x4  }
0x254: {  	v10 =	vmul.f32 v10, v11;
	v13 =	vadd.f32 v14, v13;
	_ =	sdelay $0x1  }
0x255: {  	v10 =	vadd.f32 v13, v10;
	_ =	sdelay $0x1  }
0x256: {  	v10 =	vadd.f32 v10, v12  }
0x257: {  	s25 =	sand.u32 $0x1C00, s4  }
0x258: {  	s25 =	sadd.s32 s0, s25;
	s29 =	sand.u32 $0x70, s22;
	[tilespmem:s24+$0x7200] =	vst.add.f32.msk $0xffff, v10  }
0x259: {  	s29 =	sor.u32 s29, s25;
	s24 =	sor.u32 s25, s22;
	v10 =	vld [tilespmem:s13+$0x0]  }
0x25a: {  	v13 =	vld [tilespmem:s29+$0x19500]  }
0x25b: {  	v14 =	vld [tilespmem:s29+$0x19380]  }
0x25c: {  	v15 =	vld [tilespmem:s29+$0x10300]  }
0x25d: {  	v16 =	vld [tilespmem:s29+$0x19480]  }
0x25e: {  	v17 =	vld [tilespmem:s29+$0x19300]  }
0x25f: {  	v18 =	vld [tilespmem:s29+$0x19280]  }
0x260: {  	v19 =	vld [tilespmem:s29+$0x10200]  }
0x261: {  	v20 =	vld [tilespmem:s29+$0x10280]  }
0x262: {  	v21 =	vld [tilespmem:s29+$0x19200]  }
0x263: {  	v22 =	vmul.f32 v10, v4;
	v23 =	vld [tilespmem:s29+$0x10480]  }
0x264: {  	v24 =	vmul.f32 v10, v3;
	v25 =	vld [tilespmem:s29+$0x10380]  }
0x265: {  	v26 =	vld [tilespmem:s29+$0x10500]  }
0x266: {  	v12 =	vld [tilespmem:s7+$0x0];
	v18 =	vadd.f32 v18, v20  }
0x267: {  	v15 =	vadd.f32 v17, v15;
	v17 =	vmul.f32 v10, v5;
	v19 =	vadd.f32 v21, v19;
	v20 =	vld [tilespmem:s29+$0x19400]  }
0x268: {  	v21 =	vld [tilespmem:s29+$0x10400];
	v16 =	vadd.f32 v16, v23;
	v23 =	vmul.f32 v10, v8  }
0x269: {  	v15 =	vadd.f32 v15, v17;
	v17 =	vmul.f32 v10, v6;
	v19 =	vadd.f32 v19, v24  }
0x26a: {  	v16 =	vadd.f32 v16, v23;
	v13 =	vadd.f32 v13, v26;
	v23 =	vmul.f32 v10, v9  }
0x26b: {  	v14 =	vadd.f32 v14, v25;
	v15 =	vadd.f32 v15, v12  }
.Ltmp5:
0x26c: {  	v16 =	vadd.f32 v16, v12;
	v13 =	vadd.f32 v13, v23;
	(pc) =	sbr.rel @p1 .LBB2_14-.Ltmp5, $4  }
0x26d: {  	v17 =	vadd.f32 v14, v17;
	[tilespmem:s29+$0x7300] =	vst.add.f32.msk $0xffff, v15;
	v15 =	vadd.f32 v20, v21;
	v20 =	vmul.f32 v10, v7  }
0x26e: {  	v18 =	vadd.f32 v18, v22;
	[tilespmem:s29+$0x7480] =	vst.add.f32.msk $0xffff, v16;
	v21 =	vadd.f32 v13, v12  }
0x26f: {  	v14 =	vadd.f32 v19, v12;
	v15 =	vadd.f32 v15, v20  }
0x270: {  	v13 =	vadd.f32 v18, v12;
	v16 =	vadd.f32 v17, v12;
	[tilespmem:s29+$0x7500] =	vst.add.f32.msk $0xffff, v21  }
0x271: {  	[tilespmem:s29+$0x7200] =	vst.add.f32.msk $0xffff, v14  }
0x272: {  	v3 =	vadd.f32 v15, v12;
	[tilespmem:s29+$0x7380] =	vst.add.f32.msk $0xffff, v16  }
0x273: {  	[tilespmem:s29+$0x7280] =	vst.add.f32.msk $0xffff, v13  }
0x274: {  	s0 =	sor.u32 $0x380, s24;
	[tilespmem:s29+$0x7400] =	vst.add.f32.msk $0xffff, v3  }
0x275: {  	v3 =	vld [tilespmem:s0+$0x10200]  }
0x276: {  	v4 =	vld [tilespmem:s0+$0x19200];
	_ =	sdelay $0x4  }
0x277: {  	v63 =	vmul.f32 v10, v11;
	v3 =	vadd.f32 v4, v3;
	_ =	sdelay $0x1  }
.Ltmp6:
0x278: {  	v3 =	vadd.f32 v3, v63;
	(pc) =	sbr.rel @p0 .LBB2_13-.Ltmp6, $3  }
0x279: {  	_ = 	snop  }
0x27a: {  	v3 =	vadd.f32 v3, v12;
	_ =	sdelay $0x1  }
0x27b: {  	p1 =	por $0x0, $0x0;
	[tilespmem:s0+$0x7200] =	vst.add.f32.msk $0xffff, v3;
	s0 =	simm.s32 $0x1  }
0x27c: {  	s12 =	sadd.s32 $0x1, s12  }
0x27d: {  	p0 =	sne.s32 s12, $0x15  }
.Ltmp7:
0x27e: {  	s0 =	sshrl.u32 s19, $0x3;
	(pc) =	sbr.rel @p0 .LBB2_2-.Ltmp7, $3  }
0x27f: {  	s0 =	smul.u32 $0x300, s0;
	_ =	sdelay $0x1  }
0x280: {  	s29 =	simm.s32 $0x7200;
	s0 =	sadd.s32 s6, s0  }
0x281: {  	[hbm4b:s0+s8] =	stream.linear.scatter [tilespmem:s29], [sflag:$0x6], $0x3000, $0x38;
	[tilespmem:$0x1DA00] =	vst v63  }
0x282: {  	_ =	swait.ge [sflag:s5], $0x3000  }
0x283: {  	[sflag:s5] =	ssyncset.done $0x0  }
0x284: {  	[sflag:s5] =	ssyncadd.s32 $0xFFFFD000  }
0x285: {  	_ =	swait.ge [sflag:s5], $0x3000  }
0x286: {  	[sflag:s5] =	ssyncset.done $0x0  }
0x287: {  	[sflag:s5] =	ssyncadd.s32 $0xFFFFD000  }
0x288: {  	_ =	swait.ge [sflag:s5], $0x3000  }
0x289: {  	[sflag:s5] =	ssyncset.done $0x0  }
0x28a: {  	[sflag:s5] =	ssyncadd.s32 $0xFFFFD000  }
0x28b: {  	_ =	swait.ge [sflag:s5], $0x800  }
0x28c: {  	s12 =	simm.s32 $0x0;
	[sflag:s5] =	ssyncset.done $0x0  }
0x28d: {  	p1 =	por $0x1, $0x1;
	s0 =	simm.s32 $0x0;
	[sflag:s5] =	ssyncadd.s32 $0xFFFFF800  }
.LBB2_18:
0x28e: {  	s4 =	sshll.u32 s0, $0xA;
	s13 =	simm.s32 $0xC00  }
0x28f: {  	s4 =	sand.u32 $0x3FFFFC00, s4;
	v10 =	vld [tilespmem:s13+$0x0]  }
0x290: {  	v3 =	vld [tilespmem:s4+$0x1C200]  }
0x291: {  	v4 =	vld [tilespmem:s4+$0x1C280]  }
0x292: {  	s0 =	smul.u32 $0x1800, s0;
	v5 =	vld [tilespmem:s4+$0x1C300]  }
0x293: {  	s7 =	sand.u32 $0x1C00, s12;
	v6 =	vld [tilespmem:s4+$0x1C380]  }
0x294: {  	s19 =	sand.u32 $0x70, s12;
	v7 =	vld [tilespmem:s4+$0x1C400];
	s22 =	sadd.s32 s0, s7  }
0x295: {  	v8 =	vld [tilespmem:s4+$0x1C480];
	s19 =	sor.u32 s19, s22  }
0x296: {  	v11 =	vld [tilespmem:s19+$0x13500]  }
0x297: {  	v13 =	vld [tilespmem:s19+$0x13380]  }
0x298: {  	v14 =	vld [tilespmem:s19+$0xA300]  }
0x299: {  	v15 =	vld [tilespmem:s19+$0x13480]  }
0x29a: {  	v16 =	vld [tilespmem:s19+$0x13300]  }
0x29b: {  	v17 =	vld [tilespmem:s19+$0x13280]  }
0x29c: {  	v18 =	vld [tilespmem:s19+$0xA200]  }
0x29d: {  	v19 =	vld [tilespmem:s19+$0xA280]  }
0x29e: {  	v20 =	vld [tilespmem:s19+$0x13200]  }
0x29f: {  	v21 =	vld [tilespmem:s19+$0xA480]  }
0x2a0: {  	v22 =	vld [tilespmem:s19+$0xA380]  }
0x2a1: {  	v23 =	vld [tilespmem:s19+$0xA500]  }
0x2a2: {  	v9 =	vld [tilespmem:s4+$0x1C500];
	s7 =	simm.s32 $0xF00  }
0x2a3: {  	v12 =	vld [tilespmem:s7+$0x0];
	v24 =	vmul.f32 v10, v3  }
0x2a4: {  	v59 =	vld [tilespmem:s19+$0x13400];
	v60 =	vmul.f32 v10, v8;
	v18 =	vadd.f32 v20, v18;
	v14 =	vadd.f32 v16, v14  }
0x2a5: {  	v16 =	vmul.f32 v10, v5;
	v17 =	vadd.f32 v17, v19;
	v19 =	vld [tilespmem:s19+$0xA400];
	v15 =	vadd.f32 v15, v21  }
0x2a6: {  	v61 =	vmul.f32 v10, v6;
	v11 =	vadd.f32 v11, v23;
	v13 =	vadd.f32 v13, v22  }
0x2a7: {  	v18 =	vadd.f32 v18, v24;
	v14 =	vadd.f32 v14, v16;
	v16 =	vmul.f32 v10, v9  }
0x2a8: {  	v15 =	vadd.f32 v15, v60;
	v21 =	vadd.f32 v13, v61  }
0x2a9: {  	v62 =	vmul.f32 v10, v4;
	v14 =	vadd.f32 v14, v12;
	v16 =	vadd.f32 v11, v16  }
0x2aa: {  	v15 =	vadd.f32 v15, v12;
	v11 =	vld [tilespmem:s4+$0x1C580];
	v13 =	vadd.f32 v59, v19;
	v19 =	vmul.f32 v10, v7  }
0x2ab: {  	v17 =	vadd.f32 v17, v62;
	[tilespmem:s19+$0x1300] =	vst.add.f32.msk $0xffff, v14;
	v63 =	vadd.f32 v16, v12  }
0x2ac: {  	p0 =	por p1, p1;
	[tilespmem:s19+$0x1480] =	vst.add.f32.msk $0xffff, v15;
	v14 =	vadd.f32 v18, v12;
	v15 =	vadd.f32 v13, v19  }
0x2ad: {  	s21 =	simm.s32 $0x10;
	s24 =	sor.u32 s22, s12;
	s4 =	simm.s32 $0x0;
	v16 =	vadd.f32 v21, v12;
	v13 =	vadd.f32 v17, v12;
	[tilespmem:s19+$0x1500] =	vst.add.f32.msk $0xffff, v63  }
.LBB2_19:
0x2ae: {  	[tilespmem:s19+$0x1200] =	vst.add.f32.msk $0xffff, v14;
	v14 =	vadd.f32 v15, v12;
	s4 =	sadd.s32 $0x80, s4;
	s13 =	sadd.s32 $0x10, s13;
	s7 =	sadd.s32 $0x10, s7  }
0x2af: {  	p1 =	sne.s32 s21, $0x2F0;
	s22 =	smov.u32 s21;
	s21 =	sadd.s32 $0x10, s21;
	[tilespmem:s19+$0x1380] =	vst.add.f32.msk $0xffff, v16  }
0x2b0: {  	[tilespmem:s19+$0x1280] =	vst.add.f32.msk $0xffff, v13  }
0x2b1: {  	[tilespmem:s19+$0x1400] =	vst.add.f32.msk $0xffff, v14;
	s19 =	sor.u32 $0x380, s24  }
0x2b2: {  	v13 =	vld [tilespmem:s19+$0xA200]  }
0x2b3: {  	v14 =	vld [tilespmem:s19+$0x13200];
	_ =	sdelay $0x4  }
0x2b4: {  	v10 =	vmul.f32 v10, v11;
	v13 =	vadd.f32 v14, v13;
	_ =	sdelay $0x1  }
0x2b5: {  	v10 =	vadd.f32 v13, v10;
	_ =	sdelay $0x1  }
0x2b6: {  	v10 =	vadd.f32 v10, v12  }
0x2b7: {  	s24 =	sand.u32 $0x1C00, s4  }
0x2b8: {  	s25 =	sand.u32 $0x70, s22;
	s24 =	sadd.s32 s0, s24;
	[tilespmem:s19+$0x1200] =	vst.add.f32.msk $0xffff, v10  }
0x2b9: {  	s19 =	sor.u32 s25, s24;
	s24 =	sor.u32 s24, s22;
	v10 =	vld [tilespmem:s13+$0x0]  }
0x2ba: {  	v13 =	vld [tilespmem:s19+$0x13500]  }
0x2bb: {  	v14 =	vld [tilespmem:s19+$0x13380]  }
0x2bc: {  	v15 =	vld [tilespmem:s19+$0xA300]  }
0x2bd: {  	v16 =	vld [tilespmem:s19+$0x13480]  }
0x2be: {  	v17 =	vld [tilespmem:s19+$0x13300]  }
0x2bf: {  	v18 =	vld [tilespmem:s19+$0x13280]  }
0x2c0: {  	v19 =	vld [tilespmem:s19+$0xA200]  }
0x2c1: {  	v20 =	vld [tilespmem:s19+$0xA280]  }
0x2c2: {  	v21 =	vld [tilespmem:s19+$0x13200]  }
0x2c3: {  	v22 =	vmul.f32 v10, v4;
	v23 =	vld [tilespmem:s19+$0xA480]  }
0x2c4: {  	v24 =	vmul.f32 v10, v3;
	v25 =	vld [tilespmem:s19+$0xA380]  }
0x2c5: {  	v26 =	vld [tilespmem:s19+$0xA500]  }
0x2c6: {  	v12 =	vld [tilespmem:s7+$0x0];
	v18 =	vadd.f32 v18, v20  }
0x2c7: {  	v15 =	vadd.f32 v17, v15;
	v17 =	vmul.f32 v10, v5;
	v19 =	vadd.f32 v21, v19;
	v20 =	vld [tilespmem:s19+$0x13400]  }
0x2c8: {  	v21 =	vld [tilespmem:s19+$0xA400];
	v16 =	vadd.f32 v16, v23;
	v23 =	vmul.f32 v10, v8  }
0x2c9: {  	v15 =	vadd.f32 v15, v17;
	v17 =	vmul.f32 v10, v6;
	v19 =	vadd.f32 v19, v24  }
0x2ca: {  	v16 =	vadd.f32 v16, v23;
	v13 =	vadd.f32 v13, v26;
	v23 =	vmul.f32 v10, v9  }
0x2cb: {  	v14 =	vadd.f32 v14, v25;
	v15 =	vadd.f32 v15, v12  }
.Ltmp8:
0x2cc: {  	v16 =	vadd.f32 v16, v12;
	v13 =	vadd.f32 v13, v23;
	(pc) =	sbr.rel @p1 .LBB2_19-.Ltmp8, $4  }
0x2cd: {  	v17 =	vadd.f32 v14, v17;
	[tilespmem:s19+$0x1300] =	vst.add.f32.msk $0xffff, v15;
	v15 =	vadd.f32 v20, v21;
	v20 =	vmul.f32 v10, v7  }
0x2ce: {  	v18 =	vadd.f32 v18, v22;
	[tilespmem:s19+$0x1480] =	vst.add.f32.msk $0xffff, v16;
	v21 =	vadd.f32 v13, v12  }
0x2cf: {  	v14 =	vadd.f32 v19, v12;
	v15 =	vadd.f32 v15, v20  }
0x2d0: {  	v13 =	vadd.f32 v18, v12;
	v16 =	vadd.f32 v17, v12;
	[tilespmem:s19+$0x1500] =	vst.add.f32.msk $0xffff, v21  }
0x2d1: {  	[tilespmem:s19+$0x1200] =	vst.add.f32.msk $0xffff, v14  }
0x2d2: {  	v3 =	vadd.f32 v15, v12;
	[tilespmem:s19+$0x1380] =	vst.add.f32.msk $0xffff, v16  }
0x2d3: {  	[tilespmem:s19+$0x1280] =	vst.add.f32.msk $0xffff, v13  }
0x2d4: {  	s0 =	sor.u32 $0x380, s24;
	[tilespmem:s19+$0x1400] =	vst.add.f32.msk $0xffff, v3  }
0x2d5: {  	v3 =	vld [tilespmem:s0+$0xA200]  }
0x2d6: {  	v4 =	vld [tilespmem:s0+$0x13200];
	_ =	sdelay $0x4  }
0x2d7: {  	v63 =	vmul.f32 v10, v11;
	v3 =	vadd.f32 v4, v3;
	_ =	sdelay $0x1  }
.Ltmp9:
0x2d8: {  	v3 =	vadd.f32 v3, v63;
	(pc) =	sbr.rel @p0 .LBB2_18-.Ltmp9, $3  }
0x2d9: {  	_ = 	snop  }
0x2da: {  	v3 =	vadd.f32 v3, v12;
	_ =	sdelay $0x1  }
0x2db: {  	p1 =	por $0x0, $0x0;
	[tilespmem:s0+$0x1200] =	vst.add.f32.msk $0xffff, v3;
	s0 =	simm.s32 $0x1  }
0x2dc: {  	s0 =	rddreg [dreg:$0x11]  }
0x2dd: {  	[hbm4b:s0+s8] =	stream.linear.scatter [tilespmem:s31], [sflag:$0x4], $0x3000, $0x38;
	[tilespmem:$0x1DA00] =	vst v63  }
0x2de: {  	_ =	swait.ge [sflag:s23], $0x3000  }
0x2df: {  	[sflag:s23] =	ssyncset.done $0x0  }
0x2e0: {  	s26 =	simm.s32 $0x5;
	[sflag:s23] =	ssyncadd.s32 $0xFFFFD000  }
0x2e1: {  	_ =	swait.ge [sflag:s26], $0x3000  }
0x2e2: {  	[sflag:s26] =	ssyncset.done $0x0  }
0x2e3: {  	s4 =	simm.s32 $0x6;
	[sflag:s26] =	ssyncadd.s32 $0xFFFFD000  }
0x2e4: {  	_ =	swait.ge [sflag:s4], $0x3000  }
0x2e5: {  	s7 =	rddreg [dreg:$0x13]  }
0x2e6: {  	s30 =	rddreg [dreg:$0x12];
	s7 =	sadd.s32 $0x1, s7  }
0x2e7: {  	p0 =	sne.s32 s7, s30  }
.Ltmp10:
0x2e8: {  	_ = 	snop;
	(pc) =	sbr.rel @p0 .LBB2_1-.Ltmp10, $3  }
0x2e9: {  	_ =	sdelay $0x1  }
0x2ea: {  	[sflag:s4] =	ssyncset.done $0x0  }
0x2eb: {  	[sflag:s4] =	ssyncadd.s32 $0xFFFFD000  }
0x2ec: {  	_ =	sfence.sel $0x180000  }
0x2ed: {  	[bflag:$0x0] =	sbarrier.arrive $0xFFFF  }
0x2ee: {  	_ =	strace $0x90000047  }
0x2ef: {  	s0 =	stileid.u32;
	[bflag:$0x2] =	sbarrier.arrive $0xFFFF  }
0x2f0: {  	p0 =	sne.s32 s0, $0x0;
	s0 =	rddreg [dreg:$0xa]  }
0x2f1: {  	s0 =	sadd.s32 @!p0 $0x100000, s0  }
0x2f2: {  	[sflag:s0] =	ssyncadd.tile.s32 @!p0 $0x1;
	_ =	shalt  }
.Lfunc_end2:
_tile_overlayer_lowered:
.L_overlay_start_2:
0x2f3: {  	(tag) =	ssettag $0x2  }
0x2f4: {  	s0 =	rddreg [dreg:$0x0];
	s2 =	stileid.u32  }
0x2f5: {  	s1 =	rddreg [dreg:$0x1];
	p0 =	sne.s32 s2, $0x0  }
0x2f6: {  	s3 =	rddreg [dreg:$0x2];
	[bflag:$0x3] =	sbarrier.arrive $0xFFFF;
	s2 =	simm.s32 @!p0 $0x1C07  }
0x2f7: {  	[timem:s3], [sflag:s2] =	dma.local @!p0 [hbm:s0], s1  }
0x2f8: {  	s0 =	simm.s32 @!p0 $0x7  }
0x2f9: {  	_ =	swait.ge @!p0 [sflag:s0], s1  }
0x2fa: {  	s1 =	ssub.s32 @!p0 $0x0, s1;
	[sflag:s0] =	ssyncset.done @!p0 $0x0  }
0x2fb: {  	[sflag:s0] =	ssyncadd.s32 @!p0 s1  }
0x2fc: {  	[bflag:$0x3] =	sbarrier.arrive $0xFFFF  }
0x2fd: {  	_ =	shalt  }

</sc_bundles>
